<compile_context>
chip_gen: v7x
topology: tpu7x:2x2x1
jax: 0.10.2.dev20260603
libtpu: 0.0.44.dev20260713+nightly
codegen_flags: <defaults>
</compile_context>

<pallas_src>
import jax
import jax.numpy as jnp
from jax import lax
from jax.experimental import pallas as pl
from jax.experimental.pallas import tpu as pltpu
from jax.experimental.pallas import tpu_sc as plsc

T = 1000
D = 128
B = 16384

_info = plsc.get_sparse_core_info()
_NC, _NS = _info.num_cores, _info.num_subcores
_NW = _NC * _NS
_BPW = B // _NW
_NCH = 8
_CHUNK = _BPW // _NCH


_TROWS = 64


def _gather_kernel(table_hbm, t_hbm, out_hbm, table_sp, idx_v, rows_v,
                   si, gsem, wsem):
    sid = lax.axis_index("s")
    wid = sid * _NC + lax.axis_index("c")
    base = wid * _BPW
    idx_cp = pltpu.async_copy(t_hbm.at[pl.ds(base, _BPW)], idx_v, si)

    @pl.when(sid < 15)
    def _stage_table():
        r0 = sid * _TROWS
        pltpu.sync_copy(table_hbm.at[pl.ds(r0, _TROWS)],
                        table_sp.at[pl.ds(r0, _TROWS)])

    @pl.when(sid == 15)
    def _stage_tail():
        pltpu.sync_copy(table_hbm.at[pl.ds(15 * _TROWS, T - 15 * _TROWS)],
                        table_sp.at[pl.ds(15 * _TROWS, T - 15 * _TROWS)])

    plsc.subcore_barrier()
    idx_cp.wait()
    gathers = []
    for i in range(_NCH):
        gathers.append(pltpu.async_copy(
            table_sp.at[idx_v.at[pl.ds(i * _CHUNK, _CHUNK)]],
            rows_v.at[i], gsem.at[i]))
    writes = []
    for i in range(_NCH):
        gathers[i].wait()
        writes.append(pltpu.async_copy(
            rows_v.at[i], out_hbm.at[pl.ds(base + i * _CHUNK, _CHUNK)],
            wsem.at[i]))
    for w in writes:
        w.wait()


@jax.jit
def _lookup(table, t):
    mesh = plsc.VectorSubcoreMesh(core_axis_name="c", subcore_axis_name="s")
    return pl.kernel(
        _gather_kernel,
        mesh=mesh,
        out_type=jax.ShapeDtypeStruct((B, D), jnp.float32),
        scratch_types=[
            pltpu.VMEM_SHARED((T, D), jnp.float32),
            pltpu.VMEM((_BPW,), jnp.int32),
            pltpu.VMEM((_NCH, _CHUNK, D), jnp.float32),
            pltpu.SemaphoreType.DMA,
            pltpu.SemaphoreType.DMA((_NCH,)),
            pltpu.SemaphoreType.DMA((_NCH,)),
        ],
    )(table, t)


def kernel(table, t):
    return _lookup(table, t.astype(jnp.int32))

# --- scband reference (transcript-rebuilt; emitter-appended) ---
"""Pipeline reference for scband-time-embedding-22436909154991 (READ-ONLY COPY).

The authoritative reference and input builder live on the scoring server;
editing this copy changes nothing except your own understanding.
"""

import jax, jax.numpy as jnp
import numpy as np
import math

T = 1000
D_TIME = 128
BATCH = 16384

def _build_table(T, d_time):
    emb = jnp.arange(0, d_time, step=2, dtype=jnp.float32) / d_time * math.log(10000)
    emb = jnp.exp(-emb)
    pos = jnp.arange(T, dtype=jnp.float32)
    emb = pos[:, None] * emb[None, :]
    emb = jnp.stack([jnp.sin(emb), jnp.cos(emb)], axis=-1)
    emb = emb.reshape(T, d_time)
    return emb

def setup_inputs(seed: int = 0) -> dict:
    key = jax.random.key(seed)
    t = jax.random.randint(key, (BATCH,), 0, T, dtype=jnp.int64 if jax.config.jax_enable_x64 else jnp.int32)
    table = _build_table(T, D_TIME)
    return {"table": table, "t": t}

def reference(table, t):
    # nn.Embedding lookup: gather rows of the precomputed sinusoidal table
    emb = jnp.take(table, t, axis=0)
    return emb

if __name__ == "__main__":
    import jax
    _d = setup_inputs()
    print(jax.jit(kernel)(*tuple(_d.values())))

</pallas_src>

<mosaic_0001>
#map = affine_map<(d0, d1) -> (0, 0)>
#map1 = affine_map<(d0, d1) -> (0)>
module attributes {stable_mosaic.version = 14 : i64} {
  func.func @_gather_kernel(%arg0: i32, %arg1: i32, %arg2: memref<1000x128xf32, #tpu.memory_space<hbm>>, %arg3: memref<16384xi32, #tpu.memory_space<hbm>>, %arg4: memref<16384x128xf32, #tpu.memory_space<hbm>>, %arg5: memref<1000x128xf32, #tpu.memory_space<vmem_shared>>, %arg6: memref<512xi32, #tpu.memory_space<vmem>>, %arg7: memref<8x64x128xf32, #tpu.memory_space<vmem>>, %arg8: memref<!tpu.dma_semaphore, #tpu.memory_space<semaphore_mem>>, %arg9: memref<8x!tpu.dma_semaphore, #tpu.memory_space<semaphore_mem>>, %arg10: memref<8x!tpu.dma_semaphore, #tpu.memory_space<semaphore_mem>>) attributes {dimension_semantics = [#tpu.dimension_semantics<core_parallel>, #tpu.dimension_semantics<subcore_parallel>], iteration_bounds = array<i64: 2, 16>, scalar_prefetch = 0 : i64, scratch_operands = 6 : i64, tpu.core_type = #tpu.core_type<sc_vector_subcore>, window_params = [{transform_indices = #map}, {transform_indices = #map1}, {transform_indices = #map}]} {
    %mul3A = arith.constant 2 : i32
    %mul3A_0 = arith.muli %arg1, %mul3A : i32
    %add3A = arith.addi %mul3A_0, %arg0 : i32
    %mul3A_1 = arith.constant 512 : i32
    %mul3A_2 = arith.muli %add3A, %mul3A_1 : i32
    %dma_start3A = tpu.memref_slice %arg3[%mul3A_2] : memref<16384xi32, #tpu.memory_space<hbm>> -> memref<512xi32, #tpu.memory_space<hbm>>
    %dma_start3A_3 = tpu.memref_slice %arg3[%mul3A_2] : memref<16384xi32, #tpu.memory_space<hbm>> -> memref<512xi32, #tpu.memory_space<hbm>>
    tpu.enqueue_dma source(%dma_start3A_3 : memref<512xi32, #tpu.memory_space<hbm>>) target(%arg6 : memref<512xi32, #tpu.memory_space<vmem>>) target_semaphore(%arg8 : memref<!tpu.dma_semaphore, #tpu.memory_space<semaphore_mem>>)
    %lt3A = arith.constant 15 : i32
    %lt3A_4 = arith.cmpi slt, %arg1, %lt3A : i32
    %convert_element_type3A = arith.extui %lt3A_4 : i1 to i32
    %cond3A = arith.constant 0 : i32
    %cond3A_5 = arith.cmpi ne, %convert_element_type3A, %cond3A : i32
    scf.if %cond3A_5 {
      %mul3A_491 = arith.constant 64 : i32
      %mul3A_492 = arith.muli %arg1, %mul3A_491 : i32
      "tpu.region"() ({
        %run_scoped3A = tpu.sem_alloc : memref<!tpu.dma_semaphore, #tpu.memory_space<semaphore_mem>>
        %dma_start3A_493 = arith.constant 0 : i32
        %dma_start3A_494 = tpu.memref_slice %arg5[%mul3A_492, %dma_start3A_493] : memref<1000x128xf32, #tpu.memory_space<vmem_shared>> -> memref<64x128xf32, #tpu.memory_space<vmem_shared>>
        %dma_start3A_495 = arith.constant 0 : i32
        %dma_start3A_496 = tpu.memref_slice %arg2[%mul3A_492, %dma_start3A_495] : memref<1000x128xf32, #tpu.memory_space<hbm>> -> memref<64x128xf32, #tpu.memory_space<hbm>>
        tpu.enqueue_dma source(%dma_start3A_496 : memref<64x128xf32, #tpu.memory_space<hbm>>) target(%dma_start3A_494 : memref<64x128xf32, #tpu.memory_space<vmem_shared>>) target_semaphore(%run_scoped3A : memref<!tpu.dma_semaphore, #tpu.memory_space<semaphore_mem>>)
        %dma_wait3A_497 = arith.constant 0 : i32
        %dma_wait3A_498 = tpu.memref_slice %arg5[%mul3A_492, %dma_wait3A_497] : memref<1000x128xf32, #tpu.memory_space<vmem_shared>> -> memref<64x128xf32, #tpu.memory_space<vmem_shared>>
        %dma_wait3A_499 = arith.constant 0 : i32
        %dma_wait3A_500 = tpu.memref_slice %arg2[%mul3A_492, %dma_wait3A_499] : memref<1000x128xf32, #tpu.memory_space<hbm>> -> memref<64x128xf32, #tpu.memory_space<hbm>>
        tpu.wait_dma2 semaphore(%run_scoped3A : memref<!tpu.dma_semaphore, #tpu.memory_space<semaphore_mem>>) src(%dma_wait3A_500 : memref<64x128xf32, #tpu.memory_space<hbm>>) dst(%dma_wait3A_498 : memref<64x128xf32, #tpu.memory_space<vmem_shared>>)
        tpu.yield
      }) : () -> ()
    } else {
    }
    %eq3A = arith.constant 15 : i32
    %eq3A_6 = arith.cmpi eq, %arg1, %eq3A : i32
    %convert_element_type3A_7 = arith.extui %eq3A_6 : i1 to i32
    %cond3A_8 = arith.constant 0 : i32
    %cond3A_9 = arith.cmpi ne, %convert_element_type3A_7, %cond3A_8 : i32
    scf.if %cond3A_9 {
      "tpu.region"() ({
        %run_scoped3A = tpu.sem_alloc : memref<!tpu.dma_semaphore, #tpu.memory_space<semaphore_mem>>
        %dma_start3A_491 = arith.constant 960 : i32
        %dma_start3A_492 = arith.constant 0 : i32
        %dma_start3A_493 = tpu.memref_slice %arg5[%dma_start3A_491, %dma_start3A_492] : memref<1000x128xf32, #tpu.memory_space<vmem_shared>> -> memref<40x128xf32, #tpu.memory_space<vmem_shared>>
        %dma_start3A_494 = arith.constant 960 : i32
        %dma_start3A_495 = arith.constant 0 : i32
        %dma_start3A_496 = tpu.memref_slice %arg2[%dma_start3A_494, %dma_start3A_495] : memref<1000x128xf32, #tpu.memory_space<hbm>> -> memref<40x128xf32, #tpu.memory_space<hbm>>
        tpu.enqueue_dma source(%dma_start3A_496 : memref<40x128xf32, #tpu.memory_space<hbm>>) target(%dma_start3A_493 : memref<40x128xf32, #tpu.memory_space<vmem_shared>>) target_semaphore(%run_scoped3A : memref<!tpu.dma_semaphore, #tpu.memory_space<semaphore_mem>>)
        %dma_wait3A_497 = arith.constant 960 : i32
        %dma_wait3A_498 = arith.constant 0 : i32
        %dma_wait3A_499 = tpu.memref_slice %arg5[%dma_wait3A_497, %dma_wait3A_498] : memref<1000x128xf32, #tpu.memory_space<vmem_shared>> -> memref<40x128xf32, #tpu.memory_space<vmem_shared>>
        %dma_wait3A_500 = arith.constant 960 : i32
        %dma_wait3A_501 = arith.constant 0 : i32
        %dma_wait3A_502 = tpu.memref_slice %arg2[%dma_wait3A_500, %dma_wait3A_501] : memref<1000x128xf32, #tpu.memory_space<hbm>> -> memref<40x128xf32, #tpu.memory_space<hbm>>
        tpu.wait_dma2 semaphore(%run_scoped3A : memref<!tpu.dma_semaphore, #tpu.memory_space<semaphore_mem>>) src(%dma_wait3A_502 : memref<40x128xf32, #tpu.memory_space<hbm>>) dst(%dma_wait3A_499 : memref<40x128xf32, #tpu.memory_space<vmem_shared>>)
        tpu.yield
      }) : () -> ()
    } else {
    }
    %barrier3A = arith.constant 0 : index
    tpu.barrier barrier_id(%barrier3A)
    %dma_wait3A = tpu.memref_slice %arg3[%mul3A_2] : memref<16384xi32, #tpu.memory_space<hbm>> -> memref<512xi32, #tpu.memory_space<hbm>>
    %dma_wait3A_10 = tpu.memref_slice %arg3[%mul3A_2] : memref<16384xi32, #tpu.memory_space<hbm>> -> memref<512xi32, #tpu.memory_space<hbm>>
    tpu.wait_dma2 semaphore(%arg8 : memref<!tpu.dma_semaphore, #tpu.memory_space<semaphore_mem>>) src(%dma_wait3A_10 : memref<512xi32, #tpu.memory_space<hbm>>) dst(%arg6 : memref<512xi32, #tpu.memory_space<vmem>>)
    %dma_start3A_11 = arith.constant 0 : i32
    %dma_start3A_12 = arith.constant 0 : i32
    %dma_start3A_13 = arith.constant 0 : i32
    %dma_start3A_14 = arith.constant 0 : i32
    %dma_start3A_15 = tpu.memref_slice %arg7[%dma_start3A_11, %dma_start3A_13, %dma_start3A_14] : memref<8x64x128xf32, #tpu.memory_space<vmem>> -> memref<1x64x128xf32, #tpu.memory_space<vmem>>
    %dma_start3A_16 = tpu.memref_squeeze %dma_start3A_15 : memref<1x64x128xf32, #tpu.memory_space<vmem>> -> memref<64x128xf32, #tpu.memory_space<vmem>>
    %dma_start3A_17 = arith.constant 0 : i32
    %dma_start3A_18 = tpu.memref_slice %arg6[%dma_start3A_17] : memref<512xi32, #tpu.memory_space<vmem>> -> memref<64xi32, #tpu.memory_space<vmem>>
    %dma_start3A_19 = arith.constant 0 : i32
    %dma_start3A_20 = arith.constant 0 : i32
    %dma_start3A_21 = tpu.memref_slice %arg5[%dma_start3A_19, %dma_start3A_20] : memref<1000x128xf32, #tpu.memory_space<vmem_shared>> -> memref<1000x128xf32, #tpu.memory_space<vmem_shared>>
    %dma_start3A_22 = tpu.memref_slice %arg9[%dma_start3A_12] : memref<8x!tpu.dma_semaphore, #tpu.memory_space<semaphore_mem>> -> memref<1x!tpu.dma_semaphore, #tpu.memory_space<semaphore_mem>>
    %dma_start3A_23 = tpu.memref_squeeze %dma_start3A_22 : memref<1x!tpu.dma_semaphore, #tpu.memory_space<semaphore_mem>> -> memref<!tpu.dma_semaphore, #tpu.memory_space<semaphore_mem>>
    tpu.enqueue_indirect_dma source(%dma_start3A_21 : memref<1000x128xf32, #tpu.memory_space<vmem_shared>>) target(%dma_start3A_16 : memref<64x128xf32, #tpu.memory_space<vmem>>) offsets(%dma_start3A_18 : memref<64xi32, #tpu.memory_space<vmem>>) semaphore(%dma_start3A_23 : memref<!tpu.dma_semaphore, #tpu.memory_space<semaphore_mem>>)
    %dma_start3A_24 = arith.constant 1 : i32
    %dma_start3A_25 = arith.constant 1 : i32
    %dma_start3A_26 = arith.constant 0 : i32
    %dma_start3A_27 = arith.constant 0 : i32
    %dma_start3A_28 = tpu.memref_slice %arg7[%dma_start3A_24, %dma_start3A_26, %dma_start3A_27] : memref<8x64x128xf32, #tpu.memory_space<vmem>> -> memref<1x64x128xf32, #tpu.memory_space<vmem>>
    %dma_start3A_29 = tpu.memref_squeeze %dma_start3A_28 : memref<1x64x128xf32, #tpu.memory_space<vmem>> -> memref<64x128xf32, #tpu.memory_space<vmem>>
    %dma_start3A_30 = arith.constant 64 : i32
    %dma_start3A_31 = tpu.memref_slice %arg6[%dma_start3A_30] : memref<512xi32, #tpu.memory_space<vmem>> -> memref<64xi32, #tpu.memory_space<vmem>>
    %dma_start3A_32 = arith.constant 0 : i32
    %dma_start3A_33 = arith.constant 0 : i32
    %dma_start3A_34 = tpu.memref_slice %arg5[%dma_start3A_32, %dma_start3A_33] : memref<1000x128xf32, #tpu.memory_space<vmem_shared>> -> memref<1000x128xf32, #tpu.memory_space<vmem_shared>>
    %dma_start3A_35 = tpu.memref_slice %arg9[%dma_start3A_25] : memref<8x!tpu.dma_semaphore, #tpu.memory_space<semaphore_mem>> -> memref<1x!tpu.dma_semaphore, #tpu.memory_space<semaphore_mem>>
    %dma_start3A_36 = tpu.memref_squeeze %dma_start3A_35 : memref<1x!tpu.dma_semaphore, #tpu.memory_space<semaphore_mem>> -> memref<!tpu.dma_semaphore, #tpu.memory_space<semaphore_mem>>
    tpu.enqueue_indirect_dma source(%dma_start3A_34 : memref<1000x128xf32, #tpu.memory_space<vmem_shared>>) target(%dma_start3A_29 : memref<64x128xf32, #tpu.memory_space<vmem>>) offsets(%dma_start3A_31 : memref<64xi32, #tpu.memory_space<vmem>>) semaphore(%dma_start3A_36 : memref<!tpu.dma_semaphore, #tpu.memory_space<semaphore_mem>>)
    %dma_start3A_37 = arith.constant 2 : i32
    %dma_start3A_38 = arith.constant 2 : i32
    %dma_start3A_39 = arith.constant 0 : i32
    %dma_start3A_40 = arith.constant 0 : i32
    %dma_start3A_41 = tpu.memref_slice %arg7[%dma_start3A_37, %dma_start3A_39, %dma_start3A_40] : memref<8x64x128xf32, #tpu.memory_space<vmem>> -> memref<1x64x128xf32, #tpu.memory_space<vmem>>
    %dma_start3A_42 = tpu.memref_squeeze %dma_start3A_41 : memref<1x64x128xf32, #tpu.memory_space<vmem>> -> memref<64x128xf32, #tpu.memory_space<vmem>>
    %dma_start3A_43 = arith.constant 128 : i32
    %dma_start3A_44 = tpu.memref_slice %arg6[%dma_start3A_43] : memref<512xi32, #tpu.memory_space<vmem>> -> memref<64xi32, #tpu.memory_space<vmem>>
    %dma_start3A_45 = arith.constant 0 : i32
    %dma_start3A_46 = arith.constant 0 : i32
    %dma_start3A_47 = tpu.memref_slice %arg5[%dma_start3A_45, %dma_start3A_46] : memref<1000x128xf32, #tpu.memory_space<vmem_shared>> -> memref<1000x128xf32, #tpu.memory_space<vmem_shared>>
    %dma_start3A_48 = tpu.memref_slice %arg9[%dma_start3A_38] : memref<8x!tpu.dma_semaphore, #tpu.memory_space<semaphore_mem>> -> memref<1x!tpu.dma_semaphore, #tpu.memory_space<semaphore_mem>>
    %dma_start3A_49 = tpu.memref_squeeze %dma_start3A_48 : memref<1x!tpu.dma_semaphore, #tpu.memory_space<semaphore_mem>> -> memref<!tpu.dma_semaphore, #tpu.memory_space<semaphore_mem>>
    tpu.enqueue_indirect_dma source(%dma_start3A_47 : memref<1000x128xf32, #tpu.memory_space<vmem_shared>>) target(%dma_start3A_42 : memref<64x128xf32, #tpu.memory_space<vmem>>) offsets(%dma_start3A_44 : memref<64xi32, #tpu.memory_space<vmem>>) semaphore(%dma_start3A_49 : memref<!tpu.dma_semaphore, #tpu.memory_space<semaphore_mem>>)
    %dma_start3A_50 = arith.constant 3 : i32
    %dma_start3A_51 = arith.constant 3 : i32
    %dma_start3A_52 = arith.constant 0 : i32
    %dma_start3A_53 = arith.constant 0 : i32
    %dma_start3A_54 = tpu.memref_slice %arg7[%dma_start3A_50, %dma_start3A_52, %dma_start3A_53] : memref<8x64x128xf32, #tpu.memory_space<vmem>> -> memref<1x64x128xf32, #tpu.memory_space<vmem>>
    %dma_start3A_55 = tpu.memref_squeeze %dma_start3A_54 : memref<1x64x128xf32, #tpu.memory_space<vmem>> -> memref<64x128xf32, #tpu.memory_space<vmem>>
    %dma_start3A_56 = arith.constant 192 : i32
    %dma_start3A_57 = tpu.memref_slice %arg6[%dma_start3A_56] : memref<512xi32, #tpu.memory_space<vmem>> -> memref<64xi32, #tpu.memory_space<vmem>>
    %dma_start3A_58 = arith.constant 0 : i32
    %dma_start3A_59 = arith.constant 0 : i32
    %dma_start3A_60 = tpu.memref_slice %arg5[%dma_start3A_58, %dma_start3A_59] : memref<1000x128xf32, #tpu.memory_space<vmem_shared>> -> memref<1000x128xf32, #tpu.memory_space<vmem_shared>>
    %dma_start3A_61 = tpu.memref_slice %arg9[%dma_start3A_51] : memref<8x!tpu.dma_semaphore, #tpu.memory_space<semaphore_mem>> -> memref<1x!tpu.dma_semaphore, #tpu.memory_space<semaphore_mem>>
    %dma_start3A_62 = tpu.memref_squeeze %dma_start3A_61 : memref<1x!tpu.dma_semaphore, #tpu.memory_space<semaphore_mem>> -> memref<!tpu.dma_semaphore, #tpu.memory_space<semaphore_mem>>
    tpu.enqueue_indirect_dma source(%dma_start3A_60 : memref<1000x128xf32, #tpu.memory_space<vmem_shared>>) target(%dma_start3A_55 : memref<64x128xf32, #tpu.memory_space<vmem>>) offsets(%dma_start3A_57 : memref<64xi32, #tpu.memory_space<vmem>>) semaphore(%dma_start3A_62 : memref<!tpu.dma_semaphore, #tpu.memory_space<semaphore_mem>>)
    %dma_start3A_63 = arith.constant 4 : i32
    %dma_start3A_64 = arith.constant 4 : i32
    %dma_start3A_65 = arith.constant 0 : i32
    %dma_start3A_66 = arith.constant 0 : i32
    %dma_start3A_67 = tpu.memref_slice %arg7[%dma_start3A_63, %dma_start3A_65, %dma_start3A_66] : memref<8x64x128xf32, #tpu.memory_space<vmem>> -> memref<1x64x128xf32, #tpu.memory_space<vmem>>
    %dma_start3A_68 = tpu.memref_squeeze %dma_start3A_67 : memref<1x64x128xf32, #tpu.memory_space<vmem>> -> memref<64x128xf32, #tpu.memory_space<vmem>>
    %dma_start3A_69 = arith.constant 256 : i32
    %dma_start3A_70 = tpu.memref_slice %arg6[%dma_start3A_69] : memref<512xi32, #tpu.memory_space<vmem>> -> memref<64xi32, #tpu.memory_space<vmem>>
    %dma_start3A_71 = arith.constant 0 : i32
    %dma_start3A_72 = arith.constant 0 : i32
    %dma_start3A_73 = tpu.memref_slice %arg5[%dma_start3A_71, %dma_start3A_72] : memref<1000x128xf32, #tpu.memory_space<vmem_shared>> -> memref<1000x128xf32, #tpu.memory_space<vmem_shared>>
    %dma_start3A_74 = tpu.memref_slice %arg9[%dma_start3A_64] : memref<8x!tpu.dma_semaphore, #tpu.memory_space<semaphore_mem>> -> memref<1x!tpu.dma_semaphore, #tpu.memory_space<semaphore_mem>>
    %dma_start3A_75 = tpu.memref_squeeze %dma_start3A_74 : memref<1x!tpu.dma_semaphore, #tpu.memory_space<semaphore_mem>> -> memref<!tpu.dma_semaphore, #tpu.memory_space<semaphore_mem>>
    tpu.enqueue_indirect_dma source(%dma_start3A_73 : memref<1000x128xf32, #tpu.memory_space<vmem_shared>>) target(%dma_start3A_68 : memref<64x128xf32, #tpu.memory_space<vmem>>) offsets(%dma_start3A_70 : memref<64xi32, #tpu.memory_space<vmem>>) semaphore(%dma_start3A_75 : memref<!tpu.dma_semaphore, #tpu.memory_space<semaphore_mem>>)
    %dma_start3A_76 = arith.constant 5 : i32
    %dma_start3A_77 = arith.constant 5 : i32
    %dma_start3A_78 = arith.constant 0 : i32
    %dma_start3A_79 = arith.constant 0 : i32
    %dma_start3A_80 = tpu.memref_slice %arg7[%dma_start3A_76, %dma_start3A_78, %dma_start3A_79] : memref<8x64x128xf32, #tpu.memory_space<vmem>> -> memref<1x64x128xf32, #tpu.memory_space<vmem>>
    %dma_start3A_81 = tpu.memref_squeeze %dma_start3A_80 : memref<1x64x128xf32, #tpu.memory_space<vmem>> -> memref<64x128xf32, #tpu.memory_space<vmem>>
    %dma_start3A_82 = arith.constant 320 : i32
    %dma_start3A_83 = tpu.memref_slice %arg6[%dma_start3A_82] : memref<512xi32, #tpu.memory_space<vmem>> -> memref<64xi32, #tpu.memory_space<vmem>>
    %dma_start3A_84 = arith.constant 0 : i32
    %dma_start3A_85 = arith.constant 0 : i32
    %dma_start3A_86 = tpu.memref_slice %arg5[%dma_start3A_84, %dma_start3A_85] : memref<1000x128xf32, #tpu.memory_space<vmem_shared>> -> memref<1000x128xf32, #tpu.memory_space<vmem_shared>>
    %dma_start3A_87 = tpu.memref_slice %arg9[%dma_start3A_77] : memref<8x!tpu.dma_semaphore, #tpu.memory_space<semaphore_mem>> -> memref<1x!tpu.dma_semaphore, #tpu.memory_space<semaphore_mem>>
    %dma_start3A_88 = tpu.memref_squeeze %dma_start3A_87 : memref<1x!tpu.dma_semaphore, #tpu.memory_space<semaphore_mem>> -> memref<!tpu.dma_semaphore, #tpu.memory_space<semaphore_mem>>
    tpu.enqueue_indirect_dma source(%dma_start3A_86 : memref<1000x128xf32, #tpu.memory_space<vmem_shared>>) target(%dma_start3A_81 : memref<64x128xf32, #tpu.memory_space<vmem>>) offsets(%dma_start3A_83 : memref<64xi32, #tpu.memory_space<vmem>>) semaphore(%dma_start3A_88 : memref<!tpu.dma_semaphore, #tpu.memory_space<semaphore_mem>>)
    %dma_start3A_89 = arith.constant 6 : i32
    %dma_start3A_90 = arith.constant 6 : i32
    %dma_start3A_91 = arith.constant 0 : i32
    %dma_start3A_92 = arith.constant 0 : i32
    %dma_start3A_93 = tpu.memref_slice %arg7[%dma_start3A_89, %dma_start3A_91, %dma_start3A_92] : memref<8x64x128xf32, #tpu.memory_space<vmem>> -> memref<1x64x128xf32, #tpu.memory_space<vmem>>
    %dma_start3A_94 = tpu.memref_squeeze %dma_start3A_93 : memref<1x64x128xf32, #tpu.memory_space<vmem>> -> memref<64x128xf32, #tpu.memory_space<vmem>>
    %dma_start3A_95 = arith.constant 384 : i32
    %dma_start3A_96 = tpu.memref_slice %arg6[%dma_start3A_95] : memref<512xi32, #tpu.memory_space<vmem>> -> memref<64xi32, #tpu.memory_space<vmem>>
    %dma_start3A_97 = arith.constant 0 : i32
    %dma_start3A_98 = arith.constant 0 : i32
    %dma_start3A_99 = tpu.memref_slice %arg5[%dma_start3A_97, %dma_start3A_98] : memref<1000x128xf32, #tpu.memory_space<vmem_shared>> -> memref<1000x128xf32, #tpu.memory_space<vmem_shared>>
    %dma_start3A_100 = tpu.memref_slice %arg9[%dma_start3A_90] : memref<8x!tpu.dma_semaphore, #tpu.memory_space<semaphore_mem>> -> memref<1x!tpu.dma_semaphore, #tpu.memory_space<semaphore_mem>>
    %dma_start3A_101 = tpu.memref_squeeze %dma_start3A_100 : memref<1x!tpu.dma_semaphore, #tpu.memory_space<semaphore_mem>> -> memref<!tpu.dma_semaphore, #tpu.memory_space<semaphore_mem>>
    tpu.enqueue_indirect_dma source(%dma_start3A_99 : memref<1000x128xf32, #tpu.memory_space<vmem_shared>>) target(%dma_start3A_94 : memref<64x128xf32, #tpu.memory_space<vmem>>) offsets(%dma_start3A_96 : memref<64xi32, #tpu.memory_space<vmem>>) semaphore(%dma_start3A_101 : memref<!tpu.dma_semaphore, #tpu.memory_space<semaphore_mem>>)
    %dma_start3A_102 = arith.constant 7 : i32
    %dma_start3A_103 = arith.constant 7 : i32
    %dma_start3A_104 = arith.constant 0 : i32
    %dma_start3A_105 = arith.constant 0 : i32
    %dma_start3A_106 = tpu.memref_slice %arg7[%dma_start3A_102, %dma_start3A_104, %dma_start3A_105] : memref<8x64x128xf32, #tpu.memory_space<vmem>> -> memref<1x64x128xf32, #tpu.memory_space<vmem>>
    %dma_start3A_107 = tpu.memref_squeeze %dma_start3A_106 : memref<1x64x128xf32, #tpu.memory_space<vmem>> -> memref<64x128xf32, #tpu.memory_space<vmem>>
    %dma_start3A_108 = arith.constant 448 : i32
    %dma_start3A_109 = tpu.memref_slice %arg6[%dma_start3A_108] : memref<512xi32, #tpu.memory_space<vmem>> -> memref<64xi32, #tpu.memory_space<vmem>>
    %dma_start3A_110 = arith.constant 0 : i32
    %dma_start3A_111 = arith.constant 0 : i32
    %dma_start3A_112 = tpu.memref_slice %arg5[%dma_start3A_110, %dma_start3A_111] : memref<1000x128xf32, #tpu.memory_space<vmem_shared>> -> memref<1000x128xf32, #tpu.memory_space<vmem_shared>>
    %dma_start3A_113 = tpu.memref_slice %arg9[%dma_start3A_103] : memref<8x!tpu.dma_semaphore, #tpu.memory_space<semaphore_mem>> -> memref<1x!tpu.dma_semaphore, #tpu.memory_space<semaphore_mem>>
    %dma_start3A_114 = tpu.memref_squeeze %dma_start3A_113 : memref<1x!tpu.dma_semaphore, #tpu.memory_space<semaphore_mem>> -> memref<!tpu.dma_semaphore, #tpu.memory_space<semaphore_mem>>
    tpu.enqueue_indirect_dma source(%dma_start3A_112 : memref<1000x128xf32, #tpu.memory_space<vmem_shared>>) target(%dma_start3A_107 : memref<64x128xf32, #tpu.memory_space<vmem>>) offsets(%dma_start3A_109 : memref<64xi32, #tpu.memory_space<vmem>>) semaphore(%dma_start3A_114 : memref<!tpu.dma_semaphore, #tpu.memory_space<semaphore_mem>>)
    %dma_wait3A_115 = arith.constant 0 : i32
    %dma_wait3A_116 = arith.constant 0 : i32
    %dma_wait3A_117 = arith.constant 0 : i32
    %dma_wait3A_118 = arith.constant 0 : i32
    %dma_wait3A_119 = tpu.memref_slice %arg7[%dma_wait3A_115, %dma_wait3A_117, %dma_wait3A_118] : memref<8x64x128xf32, #tpu.memory_space<vmem>> -> memref<1x64x128xf32, #tpu.memory_space<vmem>>
    %dma_wait3A_120 = tpu.memref_squeeze %dma_wait3A_119 : memref<1x64x128xf32, #tpu.memory_space<vmem>> -> memref<64x128xf32, #tpu.memory_space<vmem>>
    %dma_wait3A_121 = arith.constant 0 : i32
    %dma_wait3A_122 = tpu.memref_slice %arg6[%dma_wait3A_121] : memref<512xi32, #tpu.memory_space<vmem>> -> memref<64xi32, #tpu.memory_space<vmem>>
    %dma_wait3A_123 = arith.constant 0 : i32
    %dma_wait3A_124 = arith.constant 0 : i32
    %dma_wait3A_125 = tpu.memref_slice %arg5[%dma_wait3A_123, %dma_wait3A_124] : memref<1000x128xf32, #tpu.memory_space<vmem_shared>> -> memref<1000x128xf32, #tpu.memory_space<vmem_shared>>
    %dma_wait3A_126 = tpu.memref_slice %arg9[%dma_wait3A_116] : memref<8x!tpu.dma_semaphore, #tpu.memory_space<semaphore_mem>> -> memref<1x!tpu.dma_semaphore, #tpu.memory_space<semaphore_mem>>
    %dma_wait3A_127 = tpu.memref_squeeze %dma_wait3A_126 : memref<1x!tpu.dma_semaphore, #tpu.memory_space<semaphore_mem>> -> memref<!tpu.dma_semaphore, #tpu.memory_space<semaphore_mem>>
    tpu.wait_indirect_dma semaphore(%dma_wait3A_127 : memref<!tpu.dma_semaphore, #tpu.memory_space<semaphore_mem>>) src(%dma_wait3A_125 : memref<1000x128xf32, #tpu.memory_space<vmem_shared>>) dst(%dma_wait3A_120 : memref<64x128xf32, #tpu.memory_space<vmem>>)
    %add3A_128 = arith.constant 0 : i32
    %add3A_129 = arith.addi %mul3A_2, %add3A_128 : i32
    %dma_start3A_130 = arith.constant 0 : i32
    %dma_start3A_131 = arith.constant 0 : i32
    %dma_start3A_132 = arith.constant 0 : i32
    %dma_start3A_133 = arith.constant 0 : i32
    %dma_start3A_134 = tpu.memref_slice %arg7[%dma_start3A_130, %dma_start3A_132, %dma_start3A_133] : memref<8x64x128xf32, #tpu.memory_space<vmem>> -> memref<1x64x128xf32, #tpu.memory_space<vmem>>
    %dma_start3A_135 = tpu.memref_squeeze %dma_start3A_134 : memref<1x64x128xf32, #tpu.memory_space<vmem>> -> memref<64x128xf32, #tpu.memory_space<vmem>>
    %dma_start3A_136 = arith.constant 0 : i32
    %dma_start3A_137 = tpu.memref_slice %arg4[%add3A_129, %dma_start3A_136] : memref<16384x128xf32, #tpu.memory_space<hbm>> -> memref<64x128xf32, #tpu.memory_space<hbm>>
    %dma_start3A_138 = tpu.memref_slice %arg10[%dma_start3A_131] : memref<8x!tpu.dma_semaphore, #tpu.memory_space<semaphore_mem>> -> memref<1x!tpu.dma_semaphore, #tpu.memory_space<semaphore_mem>>
    %dma_start3A_139 = tpu.memref_squeeze %dma_start3A_138 : memref<1x!tpu.dma_semaphore, #tpu.memory_space<semaphore_mem>> -> memref<!tpu.dma_semaphore, #tpu.memory_space<semaphore_mem>>
    %dma_start3A_140 = arith.constant 0 : i32
    %dma_start3A_141 = tpu.memref_slice %arg4[%add3A_129, %dma_start3A_140] : memref<16384x128xf32, #tpu.memory_space<hbm>> -> memref<64x128xf32, #tpu.memory_space<hbm>>
    %dma_start3A_142 = arith.constant 0 : i32
    %dma_start3A_143 = arith.constant 0 : i32
    %dma_start3A_144 = tpu.memref_slice %arg7[%dma_start3A_130, %dma_start3A_142, %dma_start3A_143] : memref<8x64x128xf32, #tpu.memory_space<vmem>> -> memref<1x64x128xf32, #tpu.memory_space<vmem>>
    %dma_start3A_145 = tpu.memref_squeeze %dma_start3A_144 : memref<1x64x128xf32, #tpu.memory_space<vmem>> -> memref<64x128xf32, #tpu.memory_space<vmem>>
    tpu.enqueue_dma source(%dma_start3A_145 : memref<64x128xf32, #tpu.memory_space<vmem>>) target(%dma_start3A_141 : memref<64x128xf32, #tpu.memory_space<hbm>>) target_semaphore(%dma_start3A_139 : memref<!tpu.dma_semaphore, #tpu.memory_space<semaphore_mem>>)
    %dma_wait3A_146 = arith.constant 1 : i32
    %dma_wait3A_147 = arith.constant 1 : i32
    %dma_wait3A_148 = arith.constant 0 : i32
    %dma_wait3A_149 = arith.constant 0 : i32
    %dma_wait3A_150 = tpu.memref_slice %arg7[%dma_wait3A_146, %dma_wait3A_148, %dma_wait3A_149] : memref<8x64x128xf32, #tpu.memory_space<vmem>> -> memref<1x64x128xf32, #tpu.memory_space<vmem>>
    %dma_wait3A_151 = tpu.memref_squeeze %dma_wait3A_150 : memref<1x64x128xf32, #tpu.memory_space<vmem>> -> memref<64x128xf32, #tpu.memory_space<vmem>>
    %dma_wait3A_152 = arith.constant 64 : i32
    %dma_wait3A_153 = tpu.memref_slice %arg6[%dma_wait3A_152] : memref<512xi32, #tpu.memory_space<vmem>> -> memref<64xi32, #tpu.memory_space<vmem>>
    %dma_wait3A_154 = arith.constant 0 : i32
    %dma_wait3A_155 = arith.constant 0 : i32
    %dma_wait3A_156 = tpu.memref_slice %arg5[%dma_wait3A_154, %dma_wait3A_155] : memref<1000x128xf32, #tpu.memory_space<vmem_shared>> -> memref<1000x128xf32, #tpu.memory_space<vmem_shared>>
    %dma_wait3A_157 = tpu.memref_slice %arg9[%dma_wait3A_147] : memref<8x!tpu.dma_semaphore, #tpu.memory_space<semaphore_mem>> -> memref<1x!tpu.dma_semaphore, #tpu.memory_space<semaphore_mem>>
    %dma_wait3A_158 = tpu.memref_squeeze %dma_wait3A_157 : memref<1x!tpu.dma_semaphore, #tpu.memory_space<semaphore_mem>> -> memref<!tpu.dma_semaphore, #tpu.memory_space<semaphore_mem>>
    tpu.wait_indirect_dma semaphore(%dma_wait3A_158 : memref<!tpu.dma_semaphore, #tpu.memory_space<semaphore_mem>>) src(%dma_wait3A_156 : memref<1000x128xf32, #tpu.memory_space<vmem_shared>>) dst(%dma_wait3A_151 : memref<64x128xf32, #tpu.memory_space<vmem>>)
    %add3A_159 = arith.constant 64 : i32
    %add3A_160 = arith.addi %mul3A_2, %add3A_159 : i32
    %dma_start3A_161 = arith.constant 1 : i32
    %dma_start3A_162 = arith.constant 1 : i32
    %dma_start3A_163 = arith.constant 0 : i32
    %dma_start3A_164 = arith.constant 0 : i32
    %dma_start3A_165 = tpu.memref_slice %arg7[%dma_start3A_161, %dma_start3A_163, %dma_start3A_164] : memref<8x64x128xf32, #tpu.memory_space<vmem>> -> memref<1x64x128xf32, #tpu.memory_space<vmem>>
    %dma_start3A_166 = tpu.memref_squeeze %dma_start3A_165 : memref<1x64x128xf32, #tpu.memory_space<vmem>> -> memref<64x128xf32, #tpu.memory_space<vmem>>
    %dma_start3A_167 = arith.constant 0 : i32
    %dma_start3A_168 = tpu.memref_slice %arg4[%add3A_160, %dma_start3A_167] : memref<16384x128xf32, #tpu.memory_space<hbm>> -> memref<64x128xf32, #tpu.memory_space<hbm>>
    %dma_start3A_169 = tpu.memref_slice %arg10[%dma_start3A_162] : memref<8x!tpu.dma_semaphore, #tpu.memory_space<semaphore_mem>> -> memref<1x!tpu.dma_semaphore, #tpu.memory_space<semaphore_mem>>
    %dma_start3A_170 = tpu.memref_squeeze %dma_start3A_169 : memref<1x!tpu.dma_semaphore, #tpu.memory_space<semaphore_mem>> -> memref<!tpu.dma_semaphore, #tpu.memory_space<semaphore_mem>>
    %dma_start3A_171 = arith.constant 0 : i32
    %dma_start3A_172 = tpu.memref_slice %arg4[%add3A_160, %dma_start3A_171] : memref<16384x128xf32, #tpu.memory_space<hbm>> -> memref<64x128xf32, #tpu.memory_space<hbm>>
    %dma_start3A_173 = arith.constant 0 : i32
    %dma_start3A_174 = arith.constant 0 : i32
    %dma_start3A_175 = tpu.memref_slice %arg7[%dma_start3A_161, %dma_start3A_173, %dma_start3A_174] : memref<8x64x128xf32, #tpu.memory_space<vmem>> -> memref<1x64x128xf32, #tpu.memory_space<vmem>>
    %dma_start3A_176 = tpu.memref_squeeze %dma_start3A_175 : memref<1x64x128xf32, #tpu.memory_space<vmem>> -> memref<64x128xf32, #tpu.memory_space<vmem>>
    tpu.enqueue_dma source(%dma_start3A_176 : memref<64x128xf32, #tpu.memory_space<vmem>>) target(%dma_start3A_172 : memref<64x128xf32, #tpu.memory_space<hbm>>) target_semaphore(%dma_start3A_170 : memref<!tpu.dma_semaphore, #tpu.memory_space<semaphore_mem>>)
    %dma_wait3A_177 = arith.constant 2 : i32
    %dma_wait3A_178 = arith.constant 2 : i32
    %dma_wait3A_179 = arith.constant 0 : i32
    %dma_wait3A_180 = arith.constant 0 : i32
    %dma_wait3A_181 = tpu.memref_slice %arg7[%dma_wait3A_177, %dma_wait3A_179, %dma_wait3A_180] : memref<8x64x128xf32, #tpu.memory_space<vmem>> -> memref<1x64x128xf32, #tpu.memory_space<vmem>>
    %dma_wait3A_182 = tpu.memref_squeeze %dma_wait3A_181 : memref<1x64x128xf32, #tpu.memory_space<vmem>> -> memref<64x128xf32, #tpu.memory_space<vmem>>
    %dma_wait3A_183 = arith.constant 128 : i32
    %dma_wait3A_184 = tpu.memref_slice %arg6[%dma_wait3A_183] : memref<512xi32, #tpu.memory_space<vmem>> -> memref<64xi32, #tpu.memory_space<vmem>>
    %dma_wait3A_185 = arith.constant 0 : i32
    %dma_wait3A_186 = arith.constant 0 : i32
    %dma_wait3A_187 = tpu.memref_slice %arg5[%dma_wait3A_185, %dma_wait3A_186] : memref<1000x128xf32, #tpu.memory_space<vmem_shared>> -> memref<1000x128xf32, #tpu.memory_space<vmem_shared>>
    %dma_wait3A_188 = tpu.memref_slice %arg9[%dma_wait3A_178] : memref<8x!tpu.dma_semaphore, #tpu.memory_space<semaphore_mem>> -> memref<1x!tpu.dma_semaphore, #tpu.memory_space<semaphore_mem>>
    %dma_wait3A_189 = tpu.memref_squeeze %dma_wait3A_188 : memref<1x!tpu.dma_semaphore, #tpu.memory_space<semaphore_mem>> -> memref<!tpu.dma_semaphore, #tpu.memory_space<semaphore_mem>>
    tpu.wait_indirect_dma semaphore(%dma_wait3A_189 : memref<!tpu.dma_semaphore, #tpu.memory_space<semaphore_mem>>) src(%dma_wait3A_187 : memref<1000x128xf32, #tpu.memory_space<vmem_shared>>) dst(%dma_wait3A_182 : memref<64x128xf32, #tpu.memory_space<vmem>>)
    %add3A_190 = arith.constant 128 : i32
    %add3A_191 = arith.addi %mul3A_2, %add3A_190 : i32
    %dma_start3A_192 = arith.constant 2 : i32
    %dma_start3A_193 = arith.constant 2 : i32
    %dma_start3A_194 = arith.constant 0 : i32
    %dma_start3A_195 = arith.constant 0 : i32
    %dma_start3A_196 = tpu.memref_slice %arg7[%dma_start3A_192, %dma_start3A_194, %dma_start3A_195] : memref<8x64x128xf32, #tpu.memory_space<vmem>> -> memref<1x64x128xf32, #tpu.memory_space<vmem>>
    %dma_start3A_197 = tpu.memref_squeeze %dma_start3A_196 : memref<1x64x128xf32, #tpu.memory_space<vmem>> -> memref<64x128xf32, #tpu.memory_space<vmem>>
    %dma_start3A_198 = arith.constant 0 : i32
    %dma_start3A_199 = tpu.memref_slice %arg4[%add3A_191, %dma_start3A_198] : memref<16384x128xf32, #tpu.memory_space<hbm>> -> memref<64x128xf32, #tpu.memory_space<hbm>>
    %dma_start3A_200 = tpu.memref_slice %arg10[%dma_start3A_193] : memref<8x!tpu.dma_semaphore, #tpu.memory_space<semaphore_mem>> -> memref<1x!tpu.dma_semaphore, #tpu.memory_space<semaphore_mem>>
    %dma_start3A_201 = tpu.memref_squeeze %dma_start3A_200 : memref<1x!tpu.dma_semaphore, #tpu.memory_space<semaphore_mem>> -> memref<!tpu.dma_semaphore, #tpu.memory_space<semaphore_mem>>
    %dma_start3A_202 = arith.constant 0 : i32
    %dma_start3A_203 = tpu.memref_slice %arg4[%add3A_191, %dma_start3A_202] : memref<16384x128xf32, #tpu.memory_space<hbm>> -> memref<64x128xf32, #tpu.memory_space<hbm>>
    %dma_start3A_204 = arith.constant 0 : i32
    %dma_start3A_205 = arith.constant 0 : i32
    %dma_start3A_206 = tpu.memref_slice %arg7[%dma_start3A_192, %dma_start3A_204, %dma_start3A_205] : memref<8x64x128xf32, #tpu.memory_space<vmem>> -> memref<1x64x128xf32, #tpu.memory_space<vmem>>
    %dma_start3A_207 = tpu.memref_squeeze %dma_start3A_206 : memref<1x64x128xf32, #tpu.memory_space<vmem>> -> memref<64x128xf32, #tpu.memory_space<vmem>>
    tpu.enqueue_dma source(%dma_start3A_207 : memref<64x128xf32, #tpu.memory_space<vmem>>) target(%dma_start3A_203 : memref<64x128xf32, #tpu.memory_space<hbm>>) target_semaphore(%dma_start3A_201 : memref<!tpu.dma_semaphore, #tpu.memory_space<semaphore_mem>>)
    %dma_wait3A_208 = arith.constant 3 : i32
    %dma_wait3A_209 = arith.constant 3 : i32
    %dma_wait3A_210 = arith.constant 0 : i32
    %dma_wait3A_211 = arith.constant 0 : i32
    %dma_wait3A_212 = tpu.memref_slice %arg7[%dma_wait3A_208, %dma_wait3A_210, %dma_wait3A_211] : memref<8x64x128xf32, #tpu.memory_space<vmem>> -> memref<1x64x128xf32, #tpu.memory_space<vmem>>
    %dma_wait3A_213 = tpu.memref_squeeze %dma_wait3A_212 : memref<1x64x128xf32, #tpu.memory_space<vmem>> -> memref<64x128xf32, #tpu.memory_space<vmem>>
    %dma_wait3A_214 = arith.constant 192 : i32
    %dma_wait3A_215 = tpu.memref_slice %arg6[%dma_wait3A_214] : memref<512xi32, #tpu.memory_space<vmem>> -> memref<64xi32, #tpu.memory_space<vmem>>
    %dma_wait3A_216 = arith.constant 0 : i32
    %dma_wait3A_217 = arith.constant 0 : i32
    %dma_wait3A_218 = tpu.memref_slice %arg5[%dma_wait3A_216, %dma_wait3A_217] : memref<1000x128xf32, #tpu.memory_space<vmem_shared>> -> memref<1000x128xf32, #tpu.memory_space<vmem_shared>>
    %dma_wait3A_219 = tpu.memref_slice %arg9[%dma_wait3A_209] : memref<8x!tpu.dma_semaphore, #tpu.memory_space<semaphore_mem>> -> memref<1x!tpu.dma_semaphore, #tpu.memory_space<semaphore_mem>>
    %dma_wait3A_220 = tpu.memref_squeeze %dma_wait3A_219 : memref<1x!tpu.dma_semaphore, #tpu.memory_space<semaphore_mem>> -> memref<!tpu.dma_semaphore, #tpu.memory_space<semaphore_mem>>
    tpu.wait_indirect_dma semaphore(%dma_wait3A_220 : memref<!tpu.dma_semaphore, #tpu.memory_space<semaphore_mem>>) src(%dma_wait3A_218 : memref<1000x128xf32, #tpu.memory_space<vmem_shared>>) dst(%dma_wait3A_213 : memref<64x128xf32, #tpu.memory_space<vmem>>)
    %add3A_221 = arith.constant 192 : i32
    %add3A_222 = arith.addi %mul3A_2, %add3A_221 : i32
    %dma_start3A_223 = arith.constant 3 : i32
    %dma_start3A_224 = arith.constant 3 : i32
    %dma_start3A_225 = arith.constant 0 : i32
    %dma_start3A_226 = arith.constant 0 : i32
    %dma_start3A_227 = tpu.memref_slice %arg7[%dma_start3A_223, %dma_start3A_225, %dma_start3A_226] : memref<8x64x128xf32, #tpu.memory_space<vmem>> -> memref<1x64x128xf32, #tpu.memory_space<vmem>>
    %dma_start3A_228 = tpu.memref_squeeze %dma_start3A_227 : memref<1x64x128xf32, #tpu.memory_space<vmem>> -> memref<64x128xf32, #tpu.memory_space<vmem>>
    %dma_start3A_229 = arith.constant 0 : i32
    %dma_start3A_230 = tpu.memref_slice %arg4[%add3A_222, %dma_start3A_229] : memref<16384x128xf32, #tpu.memory_space<hbm>> -> memref<64x128xf32, #tpu.memory_space<hbm>>
    %dma_start3A_231 = tpu.memref_slice %arg10[%dma_start3A_224] : memref<8x!tpu.dma_semaphore, #tpu.memory_space<semaphore_mem>> -> memref<1x!tpu.dma_semaphore, #tpu.memory_space<semaphore_mem>>
    %dma_start3A_232 = tpu.memref_squeeze %dma_start3A_231 : memref<1x!tpu.dma_semaphore, #tpu.memory_space<semaphore_mem>> -> memref<!tpu.dma_semaphore, #tpu.memory_space<semaphore_mem>>
    %dma_start3A_233 = arith.constant 0 : i32
    %dma_start3A_234 = tpu.memref_slice %arg4[%add3A_222, %dma_start3A_233] : memref<16384x128xf32, #tpu.memory_space<hbm>> -> memref<64x128xf32, #tpu.memory_space<hbm>>
    %dma_start3A_235 = arith.constant 0 : i32
    %dma_start3A_236 = arith.constant 0 : i32
    %dma_start3A_237 = tpu.memref_slice %arg7[%dma_start3A_223, %dma_start3A_235, %dma_start3A_236] : memref<8x64x128xf32, #tpu.memory_space<vmem>> -> memref<1x64x128xf32, #tpu.memory_space<vmem>>
    %dma_start3A_238 = tpu.memref_squeeze %dma_start3A_237 : memref<1x64x128xf32, #tpu.memory_space<vmem>> -> memref<64x128xf32, #tpu.memory_space<vmem>>
    tpu.enqueue_dma source(%dma_start3A_238 : memref<64x128xf32, #tpu.memory_space<vmem>>) target(%dma_start3A_234 : memref<64x128xf32, #tpu.memory_space<hbm>>) target_semaphore(%dma_start3A_232 : memref<!tpu.dma_semaphore, #tpu.memory_space<semaphore_mem>>)
    %dma_wait3A_239 = arith.constant 4 : i32
    %dma_wait3A_240 = arith.constant 4 : i32
    %dma_wait3A_241 = arith.constant 0 : i32
    %dma_wait3A_242 = arith.constant 0 : i32
    %dma_wait3A_243 = tpu.memref_slice %arg7[%dma_wait3A_239, %dma_wait3A_241, %dma_wait3A_242] : memref<8x64x128xf32, #tpu.memory_space<vmem>> -> memref<1x64x128xf32, #tpu.memory_space<vmem>>
    %dma_wait3A_244 = tpu.memref_squeeze %dma_wait3A_243 : memref<1x64x128xf32, #tpu.memory_space<vmem>> -> memref<64x128xf32, #tpu.memory_space<vmem>>
    %dma_wait3A_245 = arith.constant 256 : i32
    %dma_wait3A_246 = tpu.memref_slice %arg6[%dma_wait3A_245] : memref<512xi32, #tpu.memory_space<vmem>> -> memref<64xi32, #tpu.memory_space<vmem>>
    %dma_wait3A_247 = arith.constant 0 : i32
    %dma_wait3A_248 = arith.constant 0 : i32
    %dma_wait3A_249 = tpu.memref_slice %arg5[%dma_wait3A_247, %dma_wait3A_248] : memref<1000x128xf32, #tpu.memory_space<vmem_shared>> -> memref<1000x128xf32, #tpu.memory_space<vmem_shared>>
    %dma_wait3A_250 = tpu.memref_slice %arg9[%dma_wait3A_240] : memref<8x!tpu.dma_semaphore, #tpu.memory_space<semaphore_mem>> -> memref<1x!tpu.dma_semaphore, #tpu.memory_space<semaphore_mem>>
    %dma_wait3A_251 = tpu.memref_squeeze %dma_wait3A_250 : memref<1x!tpu.dma_semaphore, #tpu.memory_space<semaphore_mem>> -> memref<!tpu.dma_semaphore, #tpu.memory_space<semaphore_mem>>
    tpu.wait_indirect_dma semaphore(%dma_wait3A_251 : memref<!tpu.dma_semaphore, #tpu.memory_space<semaphore_mem>>) src(%dma_wait3A_249 : memref<1000x128xf32, #tpu.memory_space<vmem_shared>>) dst(%dma_wait3A_244 : memref<64x128xf32, #tpu.memory_space<vmem>>)
    %add3A_252 = arith.constant 256 : i32
    %add3A_253 = arith.addi %mul3A_2, %add3A_252 : i32
    %dma_start3A_254 = arith.constant 4 : i32
    %dma_start3A_255 = arith.constant 4 : i32
    %dma_start3A_256 = arith.constant 0 : i32
    %dma_start3A_257 = arith.constant 0 : i32
    %dma_start3A_258 = tpu.memref_slice %arg7[%dma_start3A_254, %dma_start3A_256, %dma_start3A_257] : memref<8x64x128xf32, #tpu.memory_space<vmem>> -> memref<1x64x128xf32, #tpu.memory_space<vmem>>
    %dma_start3A_259 = tpu.memref_squeeze %dma_start3A_258 : memref<1x64x128xf32, #tpu.memory_space<vmem>> -> memref<64x128xf32, #tpu.memory_space<vmem>>
    %dma_start3A_260 = arith.constant 0 : i32
    %dma_start3A_261 = tpu.memref_slice %arg4[%add3A_253, %dma_start3A_260] : memref<16384x128xf32, #tpu.memory_space<hbm>> -> memref<64x128xf32, #tpu.memory_space<hbm>>
    %dma_start3A_262 = tpu.memref_slice %arg10[%dma_start3A_255] : memref<8x!tpu.dma_semaphore, #tpu.memory_space<semaphore_mem>> -> memref<1x!tpu.dma_semaphore, #tpu.memory_space<semaphore_mem>>
    %dma_start3A_263 = tpu.memref_squeeze %dma_start3A_262 : memref<1x!tpu.dma_semaphore, #tpu.memory_space<semaphore_mem>> -> memref<!tpu.dma_semaphore, #tpu.memory_space<semaphore_mem>>
    %dma_start3A_264 = arith.constant 0 : i32
    %dma_start3A_265 = tpu.memref_slice %arg4[%add3A_253, %dma_start3A_264] : memref<16384x128xf32, #tpu.memory_space<hbm>> -> memref<64x128xf32, #tpu.memory_space<hbm>>
    %dma_start3A_266 = arith.constant 0 : i32
    %dma_start3A_267 = arith.constant 0 : i32
    %dma_start3A_268 = tpu.memref_slice %arg7[%dma_start3A_254, %dma_start3A_266, %dma_start3A_267] : memref<8x64x128xf32, #tpu.memory_space<vmem>> -> memref<1x64x128xf32, #tpu.memory_space<vmem>>
    %dma_start3A_269 = tpu.memref_squeeze %dma_start3A_268 : memref<1x64x128xf32, #tpu.memory_space<vmem>> -> memref<64x128xf32, #tpu.memory_space<vmem>>
    tpu.enqueue_dma source(%dma_start3A_269 : memref<64x128xf32, #tpu.memory_space<vmem>>) target(%dma_start3A_265 : memref<64x128xf32, #tpu.memory_space<hbm>>) target_semaphore(%dma_start3A_263 : memref<!tpu.dma_semaphore, #tpu.memory_space<semaphore_mem>>)
    %dma_wait3A_270 = arith.constant 5 : i32
    %dma_wait3A_271 = arith.constant 5 : i32
    %dma_wait3A_272 = arith.constant 0 : i32
    %dma_wait3A_273 = arith.constant 0 : i32
    %dma_wait3A_274 = tpu.memref_slice %arg7[%dma_wait3A_270, %dma_wait3A_272, %dma_wait3A_273] : memref<8x64x128xf32, #tpu.memory_space<vmem>> -> memref<1x64x128xf32, #tpu.memory_space<vmem>>
    %dma_wait3A_275 = tpu.memref_squeeze %dma_wait3A_274 : memref<1x64x128xf32, #tpu.memory_space<vmem>> -> memref<64x128xf32, #tpu.memory_space<vmem>>
    %dma_wait3A_276 = arith.constant 320 : i32
    %dma_wait3A_277 = tpu.memref_slice %arg6[%dma_wait3A_276] : memref<512xi32, #tpu.memory_space<vmem>> -> memref<64xi32, #tpu.memory_space<vmem>>
    %dma_wait3A_278 = arith.constant 0 : i32
    %dma_wait3A_279 = arith.constant 0 : i32
    %dma_wait3A_280 = tpu.memref_slice %arg5[%dma_wait3A_278, %dma_wait3A_279] : memref<1000x128xf32, #tpu.memory_space<vmem_shared>> -> memref<1000x128xf32, #tpu.memory_space<vmem_shared>>
    %dma_wait3A_281 = tpu.memref_slice %arg9[%dma_wait3A_271] : memref<8x!tpu.dma_semaphore, #tpu.memory_space<semaphore_mem>> -> memref<1x!tpu.dma_semaphore, #tpu.memory_space<semaphore_mem>>
    %dma_wait3A_282 = tpu.memref_squeeze %dma_wait3A_281 : memref<1x!tpu.dma_semaphore, #tpu.memory_space<semaphore_mem>> -> memref<!tpu.dma_semaphore, #tpu.memory_space<semaphore_mem>>
    tpu.wait_indirect_dma semaphore(%dma_wait3A_282 : memref<!tpu.dma_semaphore, #tpu.memory_space<semaphore_mem>>) src(%dma_wait3A_280 : memref<1000x128xf32, #tpu.memory_space<vmem_shared>>) dst(%dma_wait3A_275 : memref<64x128xf32, #tpu.memory_space<vmem>>)
    %add3A_283 = arith.constant 320 : i32
    %add3A_284 = arith.addi %mul3A_2, %add3A_283 : i32
    %dma_start3A_285 = arith.constant 5 : i32
    %dma_start3A_286 = arith.constant 5 : i32
    %dma_start3A_287 = arith.constant 0 : i32
    %dma_start3A_288 = arith.constant 0 : i32
    %dma_start3A_289 = tpu.memref_slice %arg7[%dma_start3A_285, %dma_start3A_287, %dma_start3A_288] : memref<8x64x128xf32, #tpu.memory_space<vmem>> -> memref<1x64x128xf32, #tpu.memory_space<vmem>>
    %dma_start3A_290 = tpu.memref_squeeze %dma_start3A_289 : memref<1x64x128xf32, #tpu.memory_space<vmem>> -> memref<64x128xf32, #tpu.memory_space<vmem>>
    %dma_start3A_291 = arith.constant 0 : i32
    %dma_start3A_292 = tpu.memref_slice %arg4[%add3A_284, %dma_start3A_291] : memref<16384x128xf32, #tpu.memory_space<hbm>> -> memref<64x128xf32, #tpu.memory_space<hbm>>
    %dma_start3A_293 = tpu.memref_slice %arg10[%dma_start3A_286] : memref<8x!tpu.dma_semaphore, #tpu.memory_space<semaphore_mem>> -> memref<1x!tpu.dma_semaphore, #tpu.memory_space<semaphore_mem>>
    %dma_start3A_294 = tpu.memref_squeeze %dma_start3A_293 : memref<1x!tpu.dma_semaphore, #tpu.memory_space<semaphore_mem>> -> memref<!tpu.dma_semaphore, #tpu.memory_space<semaphore_mem>>
    %dma_start3A_295 = arith.constant 0 : i32
    %dma_start3A_296 = tpu.memref_slice %arg4[%add3A_284, %dma_start3A_295] : memref<16384x128xf32, #tpu.memory_space<hbm>> -> memref<64x128xf32, #tpu.memory_space<hbm>>
    %dma_start3A_297 = arith.constant 0 : i32
    %dma_start3A_298 = arith.constant 0 : i32
    %dma_start3A_299 = tpu.memref_slice %arg7[%dma_start3A_285, %dma_start3A_297, %dma_start3A_298] : memref<8x64x128xf32, #tpu.memory_space<vmem>> -> memref<1x64x128xf32, #tpu.memory_space<vmem>>
    %dma_start3A_300 = tpu.memref_squeeze %dma_start3A_299 : memref<1x64x128xf32, #tpu.memory_space<vmem>> -> memref<64x128xf32, #tpu.memory_space<vmem>>
    tpu.enqueue_dma source(%dma_start3A_300 : memref<64x128xf32, #tpu.memory_space<vmem>>) target(%dma_start3A_296 : memref<64x128xf32, #tpu.memory_space<hbm>>) target_semaphore(%dma_start3A_294 : memref<!tpu.dma_semaphore, #tpu.memory_space<semaphore_mem>>)
    %dma_wait3A_301 = arith.constant 6 : i32
    %dma_wait3A_302 = arith.constant 6 : i32
    %dma_wait3A_303 = arith.constant 0 : i32
    %dma_wait3A_304 = arith.constant 0 : i32
    %dma_wait3A_305 = tpu.memref_slice %arg7[%dma_wait3A_301, %dma_wait3A_303, %dma_wait3A_304] : memref<8x64x128xf32, #tpu.memory_space<vmem>> -> memref<1x64x128xf32, #tpu.memory_space<vmem>>
    %dma_wait3A_306 = tpu.memref_squeeze %dma_wait3A_305 : memref<1x64x128xf32, #tpu.memory_space<vmem>> -> memref<64x128xf32, #tpu.memory_space<vmem>>
    %dma_wait3A_307 = arith.constant 384 : i32
    %dma_wait3A_308 = tpu.memref_slice %arg6[%dma_wait3A_307] : memref<512xi32, #tpu.memory_space<vmem>> -> memref<64xi32, #tpu.memory_space<vmem>>
    %dma_wait3A_309 = arith.constant 0 : i32
    %dma_wait3A_310 = arith.constant 0 : i32
    %dma_wait3A_311 = tpu.memref_slice %arg5[%dma_wait3A_309, %dma_wait3A_310] : memref<1000x128xf32, #tpu.memory_space<vmem_shared>> -> memref<1000x128xf32, #tpu.memory_space<vmem_shared>>
    %dma_wait3A_312 = tpu.memref_slice %arg9[%dma_wait3A_302] : memref<8x!tpu.dma_semaphore, #tpu.memory_space<semaphore_mem>> -> memref<1x!tpu.dma_semaphore, #tpu.memory_space<semaphore_mem>>
    %dma_wait3A_313 = tpu.memref_squeeze %dma_wait3A_312 : memref<1x!tpu.dma_semaphore, #tpu.memory_space<semaphore_mem>> -> memref<!tpu.dma_semaphore, #tpu.memory_space<semaphore_mem>>
    tpu.wait_indirect_dma semaphore(%dma_wait3A_313 : memref<!tpu.dma_semaphore, #tpu.memory_space<semaphore_mem>>) src(%dma_wait3A_311 : memref<1000x128xf32, #tpu.memory_space<vmem_shared>>) dst(%dma_wait3A_306 : memref<64x128xf32, #tpu.memory_space<vmem>>)
    %add3A_314 = arith.constant 384 : i32
    %add3A_315 = arith.addi %mul3A_2, %add3A_314 : i32
    %dma_start3A_316 = arith.constant 6 : i32
    %dma_start3A_317 = arith.constant 6 : i32
    %dma_start3A_318 = arith.constant 0 : i32
    %dma_start3A_319 = arith.constant 0 : i32
    %dma_start3A_320 = tpu.memref_slice %arg7[%dma_start3A_316, %dma_start3A_318, %dma_start3A_319] : memref<8x64x128xf32, #tpu.memory_space<vmem>> -> memref<1x64x128xf32, #tpu.memory_space<vmem>>
    %dma_start3A_321 = tpu.memref_squeeze %dma_start3A_320 : memref<1x64x128xf32, #tpu.memory_space<vmem>> -> memref<64x128xf32, #tpu.memory_space<vmem>>
    %dma_start3A_322 = arith.constant 0 : i32
    %dma_start3A_323 = tpu.memref_slice %arg4[%add3A_315, %dma_start3A_322] : memref<16384x128xf32, #tpu.memory_space<hbm>> -> memref<64x128xf32, #tpu.memory_space<hbm>>
    %dma_start3A_324 = tpu.memref_slice %arg10[%dma_start3A_317] : memref<8x!tpu.dma_semaphore, #tpu.memory_space<semaphore_mem>> -> memref<1x!tpu.dma_semaphore, #tpu.memory_space<semaphore_mem>>
    %dma_start3A_325 = tpu.memref_squeeze %dma_start3A_324 : memref<1x!tpu.dma_semaphore, #tpu.memory_space<semaphore_mem>> -> memref<!tpu.dma_semaphore, #tpu.memory_space<semaphore_mem>>
    %dma_start3A_326 = arith.constant 0 : i32
    %dma_start3A_327 = tpu.memref_slice %arg4[%add3A_315, %dma_start3A_326] : memref<16384x128xf32, #tpu.memory_space<hbm>> -> memref<64x128xf32, #tpu.memory_space<hbm>>
    %dma_start3A_328 = arith.constant 0 : i32
    %dma_start3A_329 = arith.constant 0 : i32
    %dma_start3A_330 = tpu.memref_slice %arg7[%dma_start3A_316, %dma_start3A_328, %dma_start3A_329] : memref<8x64x128xf32, #tpu.memory_space<vmem>> -> memref<1x64x128xf32, #tpu.memory_space<vmem>>
    %dma_start3A_331 = tpu.memref_squeeze %dma_start3A_330 : memref<1x64x128xf32, #tpu.memory_space<vmem>> -> memref<64x128xf32, #tpu.memory_space<vmem>>
    tpu.enqueue_dma source(%dma_start3A_331 : memref<64x128xf32, #tpu.memory_space<vmem>>) target(%dma_start3A_327 : memref<64x128xf32, #tpu.memory_space<hbm>>) target_semaphore(%dma_start3A_325 : memref<!tpu.dma_semaphore, #tpu.memory_space<semaphore_mem>>)
    %dma_wait3A_332 = arith.constant 7 : i32
    %dma_wait3A_333 = arith.constant 7 : i32
    %dma_wait3A_334 = arith.constant 0 : i32
    %dma_wait3A_335 = arith.constant 0 : i32
    %dma_wait3A_336 = tpu.memref_slice %arg7[%dma_wait3A_332, %dma_wait3A_334, %dma_wait3A_335] : memref<8x64x128xf32, #tpu.memory_space<vmem>> -> memref<1x64x128xf32, #tpu.memory_space<vmem>>
    %dma_wait3A_337 = tpu.memref_squeeze %dma_wait3A_336 : memref<1x64x128xf32, #tpu.memory_space<vmem>> -> memref<64x128xf32, #tpu.memory_space<vmem>>
    %dma_wait3A_338 = arith.constant 448 : i32
    %dma_wait3A_339 = tpu.memref_slice %arg6[%dma_wait3A_338] : memref<512xi32, #tpu.memory_space<vmem>> -> memref<64xi32, #tpu.memory_space<vmem>>
    %dma_wait3A_340 = arith.constant 0 : i32
    %dma_wait3A_341 = arith.constant 0 : i32
    %dma_wait3A_342 = tpu.memref_slice %arg5[%dma_wait3A_340, %dma_wait3A_341] : memref<1000x128xf32, #tpu.memory_space<vmem_shared>> -> memref<1000x128xf32, #tpu.memory_space<vmem_shared>>
    %dma_wait3A_343 = tpu.memref_slice %arg9[%dma_wait3A_333] : memref<8x!tpu.dma_semaphore, #tpu.memory_space<semaphore_mem>> -> memref<1x!tpu.dma_semaphore, #tpu.memory_space<semaphore_mem>>
    %dma_wait3A_344 = tpu.memref_squeeze %dma_wait3A_343 : memref<1x!tpu.dma_semaphore, #tpu.memory_space<semaphore_mem>> -> memref<!tpu.dma_semaphore, #tpu.memory_space<semaphore_mem>>
    tpu.wait_indirect_dma semaphore(%dma_wait3A_344 : memref<!tpu.dma_semaphore, #tpu.memory_space<semaphore_mem>>) src(%dma_wait3A_342 : memref<1000x128xf32, #tpu.memory_space<vmem_shared>>) dst(%dma_wait3A_337 : memref<64x128xf32, #tpu.memory_space<vmem>>)
    %add3A_345 = arith.constant 448 : i32
    %add3A_346 = arith.addi %mul3A_2, %add3A_345 : i32
    %dma_start3A_347 = arith.constant 7 : i32
    %dma_start3A_348 = arith.constant 7 : i32
    %dma_start3A_349 = arith.constant 0 : i32
    %dma_start3A_350 = arith.constant 0 : i32
    %dma_start3A_351 = tpu.memref_slice %arg7[%dma_start3A_347, %dma_start3A_349, %dma_start3A_350] : memref<8x64x128xf32, #tpu.memory_space<vmem>> -> memref<1x64x128xf32, #tpu.memory_space<vmem>>
    %dma_start3A_352 = tpu.memref_squeeze %dma_start3A_351 : memref<1x64x128xf32, #tpu.memory_space<vmem>> -> memref<64x128xf32, #tpu.memory_space<vmem>>
    %dma_start3A_353 = arith.constant 0 : i32
    %dma_start3A_354 = tpu.memref_slice %arg4[%add3A_346, %dma_start3A_353] : memref<16384x128xf32, #tpu.memory_space<hbm>> -> memref<64x128xf32, #tpu.memory_space<hbm>>
    %dma_start3A_355 = tpu.memref_slice %arg10[%dma_start3A_348] : memref<8x!tpu.dma_semaphore, #tpu.memory_space<semaphore_mem>> -> memref<1x!tpu.dma_semaphore, #tpu.memory_space<semaphore_mem>>
    %dma_start3A_356 = tpu.memref_squeeze %dma_start3A_355 : memref<1x!tpu.dma_semaphore, #tpu.memory_space<semaphore_mem>> -> memref<!tpu.dma_semaphore, #tpu.memory_space<semaphore_mem>>
    %dma_start3A_357 = arith.constant 0 : i32
    %dma_start3A_358 = tpu.memref_slice %arg4[%add3A_346, %dma_start3A_357] : memref<16384x128xf32, #tpu.memory_space<hbm>> -> memref<64x128xf32, #tpu.memory_space<hbm>>
    %dma_start3A_359 = arith.constant 0 : i32
    %dma_start3A_360 = arith.constant 0 : i32
    %dma_start3A_361 = tpu.memref_slice %arg7[%dma_start3A_347, %dma_start3A_359, %dma_start3A_360] : memref<8x64x128xf32, #tpu.memory_space<vmem>> -> memref<1x64x128xf32, #tpu.memory_space<vmem>>
    %dma_start3A_362 = tpu.memref_squeeze %dma_start3A_361 : memref<1x64x128xf32, #tpu.memory_space<vmem>> -> memref<64x128xf32, #tpu.memory_space<vmem>>
    tpu.enqueue_dma source(%dma_start3A_362 : memref<64x128xf32, #tpu.memory_space<vmem>>) target(%dma_start3A_358 : memref<64x128xf32, #tpu.memory_space<hbm>>) target_semaphore(%dma_start3A_356 : memref<!tpu.dma_semaphore, #tpu.memory_space<semaphore_mem>>)
    %dma_wait3A_363 = arith.constant 0 : i32
    %dma_wait3A_364 = arith.constant 0 : i32
    %dma_wait3A_365 = arith.constant 0 : i32
    %dma_wait3A_366 = arith.constant 0 : i32
    %dma_wait3A_367 = tpu.memref_slice %arg7[%dma_wait3A_363, %dma_wait3A_365, %dma_wait3A_366] : memref<8x64x128xf32, #tpu.memory_space<vmem>> -> memref<1x64x128xf32, #tpu.memory_space<vmem>>
    %dma_wait3A_368 = tpu.memref_squeeze %dma_wait3A_367 : memref<1x64x128xf32, #tpu.memory_space<vmem>> -> memref<64x128xf32, #tpu.memory_space<vmem>>
    %dma_wait3A_369 = arith.constant 0 : i32
    %dma_wait3A_370 = tpu.memref_slice %arg4[%add3A_129, %dma_wait3A_369] : memref<16384x128xf32, #tpu.memory_space<hbm>> -> memref<64x128xf32, #tpu.memory_space<hbm>>
    %dma_wait3A_371 = tpu.memref_slice %arg10[%dma_wait3A_364] : memref<8x!tpu.dma_semaphore, #tpu.memory_space<semaphore_mem>> -> memref<1x!tpu.dma_semaphore, #tpu.memory_space<semaphore_mem>>
    %dma_wait3A_372 = tpu.memref_squeeze %dma_wait3A_371 : memref<1x!tpu.dma_semaphore, #tpu.memory_space<semaphore_mem>> -> memref<!tpu.dma_semaphore, #tpu.memory_space<semaphore_mem>>
    %dma_wait3A_373 = arith.constant 0 : i32
    %dma_wait3A_374 = tpu.memref_slice %arg4[%add3A_129, %dma_wait3A_373] : memref<16384x128xf32, #tpu.memory_space<hbm>> -> memref<64x128xf32, #tpu.memory_space<hbm>>
    %dma_wait3A_375 = arith.constant 0 : i32
    %dma_wait3A_376 = arith.constant 0 : i32
    %dma_wait3A_377 = tpu.memref_slice %arg7[%dma_wait3A_363, %dma_wait3A_375, %dma_wait3A_376] : memref<8x64x128xf32, #tpu.memory_space<vmem>> -> memref<1x64x128xf32, #tpu.memory_space<vmem>>
    %dma_wait3A_378 = tpu.memref_squeeze %dma_wait3A_377 : memref<1x64x128xf32, #tpu.memory_space<vmem>> -> memref<64x128xf32, #tpu.memory_space<vmem>>
    tpu.wait_dma2 semaphore(%dma_wait3A_372 : memref<!tpu.dma_semaphore, #tpu.memory_space<semaphore_mem>>) src(%dma_wait3A_378 : memref<64x128xf32, #tpu.memory_space<vmem>>) dst(%dma_wait3A_374 : memref<64x128xf32, #tpu.memory_space<hbm>>)
    %dma_wait3A_379 = arith.constant 1 : i32
    %dma_wait3A_380 = arith.constant 1 : i32
    %dma_wait3A_381 = arith.constant 0 : i32
    %dma_wait3A_382 = arith.constant 0 : i32
    %dma_wait3A_383 = tpu.memref_slice %arg7[%dma_wait3A_379, %dma_wait3A_381, %dma_wait3A_382] : memref<8x64x128xf32, #tpu.memory_space<vmem>> -> memref<1x64x128xf32, #tpu.memory_space<vmem>>
    %dma_wait3A_384 = tpu.memref_squeeze %dma_wait3A_383 : memref<1x64x128xf32, #tpu.memory_space<vmem>> -> memref<64x128xf32, #tpu.memory_space<vmem>>
    %dma_wait3A_385 = arith.constant 0 : i32
    %dma_wait3A_386 = tpu.memref_slice %arg4[%add3A_160, %dma_wait3A_385] : memref<16384x128xf32, #tpu.memory_space<hbm>> -> memref<64x128xf32, #tpu.memory_space<hbm>>
    %dma_wait3A_387 = tpu.memref_slice %arg10[%dma_wait3A_380] : memref<8x!tpu.dma_semaphore, #tpu.memory_space<semaphore_mem>> -> memref<1x!tpu.dma_semaphore, #tpu.memory_space<semaphore_mem>>
    %dma_wait3A_388 = tpu.memref_squeeze %dma_wait3A_387 : memref<1x!tpu.dma_semaphore, #tpu.memory_space<semaphore_mem>> -> memref<!tpu.dma_semaphore, #tpu.memory_space<semaphore_mem>>
    %dma_wait3A_389 = arith.constant 0 : i32
    %dma_wait3A_390 = tpu.memref_slice %arg4[%add3A_160, %dma_wait3A_389] : memref<16384x128xf32, #tpu.memory_space<hbm>> -> memref<64x128xf32, #tpu.memory_space<hbm>>
    %dma_wait3A_391 = arith.constant 0 : i32
    %dma_wait3A_392 = arith.constant 0 : i32
    %dma_wait3A_393 = tpu.memref_slice %arg7[%dma_wait3A_379, %dma_wait3A_391, %dma_wait3A_392] : memref<8x64x128xf32, #tpu.memory_space<vmem>> -> memref<1x64x128xf32, #tpu.memory_space<vmem>>
    %dma_wait3A_394 = tpu.memref_squeeze %dma_wait3A_393 : memref<1x64x128xf32, #tpu.memory_space<vmem>> -> memref<64x128xf32, #tpu.memory_space<vmem>>
    tpu.wait_dma2 semaphore(%dma_wait3A_388 : memref<!tpu.dma_semaphore, #tpu.memory_space<semaphore_mem>>) src(%dma_wait3A_394 : memref<64x128xf32, #tpu.memory_space<vmem>>) dst(%dma_wait3A_390 : memref<64x128xf32, #tpu.memory_space<hbm>>)
    %dma_wait3A_395 = arith.constant 2 : i32
    %dma_wait3A_396 = arith.constant 2 : i32
    %dma_wait3A_397 = arith.constant 0 : i32
    %dma_wait3A_398 = arith.constant 0 : i32
    %dma_wait3A_399 = tpu.memref_slice %arg7[%dma_wait3A_395, %dma_wait3A_397, %dma_wait3A_398] : memref<8x64x128xf32, #tpu.memory_space<vmem>> -> memref<1x64x128xf32, #tpu.memory_space<vmem>>
    %dma_wait3A_400 = tpu.memref_squeeze %dma_wait3A_399 : memref<1x64x128xf32, #tpu.memory_space<vmem>> -> memref<64x128xf32, #tpu.memory_space<vmem>>
    %dma_wait3A_401 = arith.constant 0 : i32
    %dma_wait3A_402 = tpu.memref_slice %arg4[%add3A_191, %dma_wait3A_401] : memref<16384x128xf32, #tpu.memory_space<hbm>> -> memref<64x128xf32, #tpu.memory_space<hbm>>
    %dma_wait3A_403 = tpu.memref_slice %arg10[%dma_wait3A_396] : memref<8x!tpu.dma_semaphore, #tpu.memory_space<semaphore_mem>> -> memref<1x!tpu.dma_semaphore, #tpu.memory_space<semaphore_mem>>
    %dma_wait3A_404 = tpu.memref_squeeze %dma_wait3A_403 : memref<1x!tpu.dma_semaphore, #tpu.memory_space<semaphore_mem>> -> memref<!tpu.dma_semaphore, #tpu.memory_space<semaphore_mem>>
    %dma_wait3A_405 = arith.constant 0 : i32
    %dma_wait3A_406 = tpu.memref_slice %arg4[%add3A_191, %dma_wait3A_405] : memref<16384x128xf32, #tpu.memory_space<hbm>> -> memref<64x128xf32, #tpu.memory_space<hbm>>
    %dma_wait3A_407 = arith.constant 0 : i32
    %dma_wait3A_408 = arith.constant 0 : i32
    %dma_wait3A_409 = tpu.memref_slice %arg7[%dma_wait3A_395, %dma_wait3A_407, %dma_wait3A_408] : memref<8x64x128xf32, #tpu.memory_space<vmem>> -> memref<1x64x128xf32, #tpu.memory_space<vmem>>
    %dma_wait3A_410 = tpu.memref_squeeze %dma_wait3A_409 : memref<1x64x128xf32, #tpu.memory_space<vmem>> -> memref<64x128xf32, #tpu.memory_space<vmem>>
    tpu.wait_dma2 semaphore(%dma_wait3A_404 : memref<!tpu.dma_semaphore, #tpu.memory_space<semaphore_mem>>) src(%dma_wait3A_410 : memref<64x128xf32, #tpu.memory_space<vmem>>) dst(%dma_wait3A_406 : memref<64x128xf32, #tpu.memory_space<hbm>>)
    %dma_wait3A_411 = arith.constant 3 : i32
    %dma_wait3A_412 = arith.constant 3 : i32
    %dma_wait3A_413 = arith.constant 0 : i32
    %dma_wait3A_414 = arith.constant 0 : i32
    %dma_wait3A_415 = tpu.memref_slice %arg7[%dma_wait3A_411, %dma_wait3A_413, %dma_wait3A_414] : memref<8x64x128xf32, #tpu.memory_space<vmem>> -> memref<1x64x128xf32, #tpu.memory_space<vmem>>
    %dma_wait3A_416 = tpu.memref_squeeze %dma_wait3A_415 : memref<1x64x128xf32, #tpu.memory_space<vmem>> -> memref<64x128xf32, #tpu.memory_space<vmem>>
    %dma_wait3A_417 = arith.constant 0 : i32
    %dma_wait3A_418 = tpu.memref_slice %arg4[%add3A_222, %dma_wait3A_417] : memref<16384x128xf32, #tpu.memory_space<hbm>> -> memref<64x128xf32, #tpu.memory_space<hbm>>
    %dma_wait3A_419 = tpu.memref_slice %arg10[%dma_wait3A_412] : memref<8x!tpu.dma_semaphore, #tpu.memory_space<semaphore_mem>> -> memref<1x!tpu.dma_semaphore, #tpu.memory_space<semaphore_mem>>
    %dma_wait3A_420 = tpu.memref_squeeze %dma_wait3A_419 : memref<1x!tpu.dma_semaphore, #tpu.memory_space<semaphore_mem>> -> memref<!tpu.dma_semaphore, #tpu.memory_space<semaphore_mem>>
    %dma_wait3A_421 = arith.constant 0 : i32
    %dma_wait3A_422 = tpu.memref_slice %arg4[%add3A_222, %dma_wait3A_421] : memref<16384x128xf32, #tpu.memory_space<hbm>> -> memref<64x128xf32, #tpu.memory_space<hbm>>
    %dma_wait3A_423 = arith.constant 0 : i32
    %dma_wait3A_424 = arith.constant 0 : i32
    %dma_wait3A_425 = tpu.memref_slice %arg7[%dma_wait3A_411, %dma_wait3A_423, %dma_wait3A_424] : memref<8x64x128xf32, #tpu.memory_space<vmem>> -> memref<1x64x128xf32, #tpu.memory_space<vmem>>
    %dma_wait3A_426 = tpu.memref_squeeze %dma_wait3A_425 : memref<1x64x128xf32, #tpu.memory_space<vmem>> -> memref<64x128xf32, #tpu.memory_space<vmem>>
    tpu.wait_dma2 semaphore(%dma_wait3A_420 : memref<!tpu.dma_semaphore, #tpu.memory_space<semaphore_mem>>) src(%dma_wait3A_426 : memref<64x128xf32, #tpu.memory_space<vmem>>) dst(%dma_wait3A_422 : memref<64x128xf32, #tpu.memory_space<hbm>>)
    %dma_wait3A_427 = arith.constant 4 : i32
    %dma_wait3A_428 = arith.constant 4 : i32
    %dma_wait3A_429 = arith.constant 0 : i32
    %dma_wait3A_430 = arith.constant 0 : i32
    %dma_wait3A_431 = tpu.memref_slice %arg7[%dma_wait3A_427, %dma_wait3A_429, %dma_wait3A_430] : memref<8x64x128xf32, #tpu.memory_space<vmem>> -> memref<1x64x128xf32, #tpu.memory_space<vmem>>
    %dma_wait3A_432 = tpu.memref_squeeze %dma_wait3A_431 : memref<1x64x128xf32, #tpu.memory_space<vmem>> -> memref<64x128xf32, #tpu.memory_space<vmem>>
    %dma_wait3A_433 = arith.constant 0 : i32
    %dma_wait3A_434 = tpu.memref_slice %arg4[%add3A_253, %dma_wait3A_433] : memref<16384x128xf32, #tpu.memory_space<hbm>> -> memref<64x128xf32, #tpu.memory_space<hbm>>
    %dma_wait3A_435 = tpu.memref_slice %arg10[%dma_wait3A_428] : memref<8x!tpu.dma_semaphore, #tpu.memory_space<semaphore_mem>> -> memref<1x!tpu.dma_semaphore, #tpu.memory_space<semaphore_mem>>
    %dma_wait3A_436 = tpu.memref_squeeze %dma_wait3A_435 : memref<1x!tpu.dma_semaphore, #tpu.memory_space<semaphore_mem>> -> memref<!tpu.dma_semaphore, #tpu.memory_space<semaphore_mem>>
    %dma_wait3A_437 = arith.constant 0 : i32
    %dma_wait3A_438 = tpu.memref_slice %arg4[%add3A_253, %dma_wait3A_437] : memref<16384x128xf32, #tpu.memory_space<hbm>> -> memref<64x128xf32, #tpu.memory_space<hbm>>
    %dma_wait3A_439 = arith.constant 0 : i32
    %dma_wait3A_440 = arith.constant 0 : i32
    %dma_wait3A_441 = tpu.memref_slice %arg7[%dma_wait3A_427, %dma_wait3A_439, %dma_wait3A_440] : memref<8x64x128xf32, #tpu.memory_space<vmem>> -> memref<1x64x128xf32, #tpu.memory_space<vmem>>
    %dma_wait3A_442 = tpu.memref_squeeze %dma_wait3A_441 : memref<1x64x128xf32, #tpu.memory_space<vmem>> -> memref<64x128xf32, #tpu.memory_space<vmem>>
    tpu.wait_dma2 semaphore(%dma_wait3A_436 : memref<!tpu.dma_semaphore, #tpu.memory_space<semaphore_mem>>) src(%dma_wait3A_442 : memref<64x128xf32, #tpu.memory_space<vmem>>) dst(%dma_wait3A_438 : memref<64x128xf32, #tpu.memory_space<hbm>>)
    %dma_wait3A_443 = arith.constant 5 : i32
    %dma_wait3A_444 = arith.constant 5 : i32
    %dma_wait3A_445 = arith.constant 0 : i32
    %dma_wait3A_446 = arith.constant 0 : i32
    %dma_wait3A_447 = tpu.memref_slice %arg7[%dma_wait3A_443, %dma_wait3A_445, %dma_wait3A_446] : memref<8x64x128xf32, #tpu.memory_space<vmem>> -> memref<1x64x128xf32, #tpu.memory_space<vmem>>
    %dma_wait3A_448 = tpu.memref_squeeze %dma_wait3A_447 : memref<1x64x128xf32, #tpu.memory_space<vmem>> -> memref<64x128xf32, #tpu.memory_space<vmem>>
    %dma_wait3A_449 = arith.constant 0 : i32
    %dma_wait3A_450 = tpu.memref_slice %arg4[%add3A_284, %dma_wait3A_449] : memref<16384x128xf32, #tpu.memory_space<hbm>> -> memref<64x128xf32, #tpu.memory_space<hbm>>
    %dma_wait3A_451 = tpu.memref_slice %arg10[%dma_wait3A_444] : memref<8x!tpu.dma_semaphore, #tpu.memory_space<semaphore_mem>> -> memref<1x!tpu.dma_semaphore, #tpu.memory_space<semaphore_mem>>
    %dma_wait3A_452 = tpu.memref_squeeze %dma_wait3A_451 : memref<1x!tpu.dma_semaphore, #tpu.memory_space<semaphore_mem>> -> memref<!tpu.dma_semaphore, #tpu.memory_space<semaphore_mem>>
    %dma_wait3A_453 = arith.constant 0 : i32
    %dma_wait3A_454 = tpu.memref_slice %arg4[%add3A_284, %dma_wait3A_453] : memref<16384x128xf32, #tpu.memory_space<hbm>> -> memref<64x128xf32, #tpu.memory_space<hbm>>
    %dma_wait3A_455 = arith.constant 0 : i32
    %dma_wait3A_456 = arith.constant 0 : i32
    %dma_wait3A_457 = tpu.memref_slice %arg7[%dma_wait3A_443, %dma_wait3A_455, %dma_wait3A_456] : memref<8x64x128xf32, #tpu.memory_space<vmem>> -> memref<1x64x128xf32, #tpu.memory_space<vmem>>
    %dma_wait3A_458 = tpu.memref_squeeze %dma_wait3A_457 : memref<1x64x128xf32, #tpu.memory_space<vmem>> -> memref<64x128xf32, #tpu.memory_space<vmem>>
    tpu.wait_dma2 semaphore(%dma_wait3A_452 : memref<!tpu.dma_semaphore, #tpu.memory_space<semaphore_mem>>) src(%dma_wait3A_458 : memref<64x128xf32, #tpu.memory_space<vmem>>) dst(%dma_wait3A_454 : memref<64x128xf32, #tpu.memory_space<hbm>>)
    %dma_wait3A_459 = arith.constant 6 : i32
    %dma_wait3A_460 = arith.constant 6 : i32
    %dma_wait3A_461 = arith.constant 0 : i32
    %dma_wait3A_462 = arith.constant 0 : i32
    %dma_wait3A_463 = tpu.memref_slice %arg7[%dma_wait3A_459, %dma_wait3A_461, %dma_wait3A_462] : memref<8x64x128xf32, #tpu.memory_space<vmem>> -> memref<1x64x128xf32, #tpu.memory_space<vmem>>
    %dma_wait3A_464 = tpu.memref_squeeze %dma_wait3A_463 : memref<1x64x128xf32, #tpu.memory_space<vmem>> -> memref<64x128xf32, #tpu.memory_space<vmem>>
    %dma_wait3A_465 = arith.constant 0 : i32
    %dma_wait3A_466 = tpu.memref_slice %arg4[%add3A_315, %dma_wait3A_465] : memref<16384x128xf32, #tpu.memory_space<hbm>> -> memref<64x128xf32, #tpu.memory_space<hbm>>
    %dma_wait3A_467 = tpu.memref_slice %arg10[%dma_wait3A_460] : memref<8x!tpu.dma_semaphore, #tpu.memory_space<semaphore_mem>> -> memref<1x!tpu.dma_semaphore, #tpu.memory_space<semaphore_mem>>
    %dma_wait3A_468 = tpu.memref_squeeze %dma_wait3A_467 : memref<1x!tpu.dma_semaphore, #tpu.memory_space<semaphore_mem>> -> memref<!tpu.dma_semaphore, #tpu.memory_space<semaphore_mem>>
    %dma_wait3A_469 = arith.constant 0 : i32
    %dma_wait3A_470 = tpu.memref_slice %arg4[%add3A_315, %dma_wait3A_469] : memref<16384x128xf32, #tpu.memory_space<hbm>> -> memref<64x128xf32, #tpu.memory_space<hbm>>
    %dma_wait3A_471 = arith.constant 0 : i32
    %dma_wait3A_472 = arith.constant 0 : i32
    %dma_wait3A_473 = tpu.memref_slice %arg7[%dma_wait3A_459, %dma_wait3A_471, %dma_wait3A_472] : memref<8x64x128xf32, #tpu.memory_space<vmem>> -> memref<1x64x128xf32, #tpu.memory_space<vmem>>
    %dma_wait3A_474 = tpu.memref_squeeze %dma_wait3A_473 : memref<1x64x128xf32, #tpu.memory_space<vmem>> -> memref<64x128xf32, #tpu.memory_space<vmem>>
    tpu.wait_dma2 semaphore(%dma_wait3A_468 : memref<!tpu.dma_semaphore, #tpu.memory_space<semaphore_mem>>) src(%dma_wait3A_474 : memref<64x128xf32, #tpu.memory_space<vmem>>) dst(%dma_wait3A_470 : memref<64x128xf32, #tpu.memory_space<hbm>>)
    %dma_wait3A_475 = arith.constant 7 : i32
    %dma_wait3A_476 = arith.constant 7 : i32
    %dma_wait3A_477 = arith.constant 0 : i32
    %dma_wait3A_478 = arith.constant 0 : i32
    %dma_wait3A_479 = tpu.memref_slice %arg7[%dma_wait3A_475, %dma_wait3A_477, %dma_wait3A_478] : memref<8x64x128xf32, #tpu.memory_space<vmem>> -> memref<1x64x128xf32, #tpu.memory_space<vmem>>
    %dma_wait3A_480 = tpu.memref_squeeze %dma_wait3A_479 : memref<1x64x128xf32, #tpu.memory_space<vmem>> -> memref<64x128xf32, #tpu.memory_space<vmem>>
    %dma_wait3A_481 = arith.constant 0 : i32
    %dma_wait3A_482 = tpu.memref_slice %arg4[%add3A_346, %dma_wait3A_481] : memref<16384x128xf32, #tpu.memory_space<hbm>> -> memref<64x128xf32, #tpu.memory_space<hbm>>
    %dma_wait3A_483 = tpu.memref_slice %arg10[%dma_wait3A_476] : memref<8x!tpu.dma_semaphore, #tpu.memory_space<semaphore_mem>> -> memref<1x!tpu.dma_semaphore, #tpu.memory_space<semaphore_mem>>
    %dma_wait3A_484 = tpu.memref_squeeze %dma_wait3A_483 : memref<1x!tpu.dma_semaphore, #tpu.memory_space<semaphore_mem>> -> memref<!tpu.dma_semaphore, #tpu.memory_space<semaphore_mem>>
    %dma_wait3A_485 = arith.constant 0 : i32
    %dma_wait3A_486 = tpu.memref_slice %arg4[%add3A_346, %dma_wait3A_485] : memref<16384x128xf32, #tpu.memory_space<hbm>> -> memref<64x128xf32, #tpu.memory_space<hbm>>
    %dma_wait3A_487 = arith.constant 0 : i32
    %dma_wait3A_488 = arith.constant 0 : i32
    %dma_wait3A_489 = tpu.memref_slice %arg7[%dma_wait3A_475, %dma_wait3A_487, %dma_wait3A_488] : memref<8x64x128xf32, #tpu.memory_space<vmem>> -> memref<1x64x128xf32, #tpu.memory_space<vmem>>
    %dma_wait3A_490 = tpu.memref_squeeze %dma_wait3A_489 : memref<1x64x128xf32, #tpu.memory_space<vmem>> -> memref<64x128xf32, #tpu.memory_space<vmem>>
    tpu.wait_dma2 semaphore(%dma_wait3A_484 : memref<!tpu.dma_semaphore, #tpu.memory_space<semaphore_mem>>) src(%dma_wait3A_490 : memref<64x128xf32, #tpu.memory_space<vmem>>) dst(%dma_wait3A_486 : memref<64x128xf32, #tpu.memory_space<hbm>>)
    return
  }
}

</mosaic_0001>

<sc_bundles>
// kernel: _lookup.3.cloned.1.call-start
scs
__scs_entry_jumppad:
0x0: {  	(pc) =	sbr.rel $0x88, $3  }
0x1: {  	(tag) =	ssettag $0x0;
	lr =	simm.s32 $0x1  }
0x2: {  	[smem:$0x3F9F] =	sst lr;
	_ =	strace $0xD0000000  }
0x3: {  	_ = 	snop  }
0x4: {  	_ = 	snop  }
0x5: {  	_ = 	snop  }
0x6: {  	_ = 	snop  }
0x7: {  	_ = 	snop  }
__scs_overlays_trampoline_lowered:
0x8: {  	[smem:$0x3FAE] =	sst s0  }
0x9: {  	[smem:$0x3FAF] =	sst s1  }
0xa: {  	[smem:$0x3FB0] =	sst s2  }
0xb: {  	[smem:$0x3FB1] =	sst s3  }
0xc: {  	[smem:$0x3FB2] =	sst s4  }
0xd: {  	[smem:$0x3FB3] =	sst s5  }
0xe: {  	[smem:$0x3FB4] =	sst s6  }
0xf: {  	[smem:$0x3FB5] =	sst s7  }
0x10: {  	[smem:$0x3FB6] =	sst s8  }
0x11: {  	[smem:$0x3FB7] =	sst s9;
	s0 =	simm.s32 @!p0 $0x0  }
0x12: {  	s1 =	sld [smem:$0x3F9D];
	s0 =	simm.s32 @p0 $0x1  }
0x13: {  	[smem:$0x3FB8] =	sst s0;
	s0 =	simm.s32 @!p1 $0x0  }
0x14: {  	s2 =	sld [smem:$0x3F9C];
	s0 =	simm.s32 @p1 $0x1  }
0x15: {  	[smem:$0x3FB9] =	sst s0;
	s0 =	simm.s32 @!p2 $0x0  }
0x16: {  	s3 =	sld [smem:$0x3FDB];
	s0 =	simm.s32 @p2 $0x1  }
0x17: {  	s4 =	simm.s32 $0x1BF5;
	[smem:$0x3FBB] =	sst s0  }
0x18: {  	s0 =	sld [smem:$0x3F9E];
	_ =	swait.ge [sflag:s4], $0x0  }
0x19: {  	s7 =	sld [smem:$0x3F9F]  }
0x1a: {  	s8 =	sadd.s32 $0xFFFFE003, lr  }
0x1b: {  	s9 =	sadd.s32 $0xFFFFFEF7, lr;
	s5 =	simm.s32 $0xFFFFFFFF;
	p2 =	slt.u32 s8, $0xFFFFF086  }
0x1c: {  	p1 =	slt.u32 s9, $0xF7A;
	s5 =	simm.s32 @!p2 $0x0  }
0x1d: {  	s5 =	simm.s32 @p1 $0x1;
	p0 =	seq.s32 s7, s2  }
0x1e: {  	s7 =	smul.u32 @!p0 $0xF7A, s2;
	p2 =	seq.s32 @!p0 s5, $0x0  }
0x1f: {  	s9 =	smul.u32 $0xF7A, s1;
	s8 =	simm.s32 @!p0 $0x1BF5;
	p2 =	por !p2, p0  }
0x20: {  	[sflag:s8] =	ssyncset.s32 @!p0 $0xFFFFF086;
	s6 =	sadd.s32 @!p0 s3, s7;
	s7 =	simm.s32 @!p0 $0x108  }
0x21: {  	s3 =	sadd.s32 s3, s9;
	s6 =	sadd.s32 @!p0 $0x88, s6;
	s7 =	simm.s32 @p2 $0x1082  }
0x22: {  	[simem:s7], [sflag:s8] =	dma.local @!p0 [hbm:s6], $0xF7A  }
0x23: {  	s9 =	sor.u32 $0xD0000000, s2;
	s6 =	simm.s32 $0x108;
	_ =	swait.ge @!p0 [sflag:s8], $0x0  }
0x24: {  	s3 =	sadd.s32 $0x88, s3;
	s6 =	simm.s32 @!p1 $0x1082;
	[sflag:s4] =	ssyncset.s32 $0xFFFFF086  }
0x25: {  	[simem:s6], [sflag:s4] =	dma.local [hbm:s3], $0xF7A  }
0x26: {  	[smem:$0x3F9F] =	sst s1;
	(tag) =	ssettag s2;
	_ =	strace s9  }
0x27: {  	s1 =	sld [smem:$0x3FAF]  }
0x28: {  	s2 =	sld [smem:$0x3FB0]  }
0x29: {  	s4 =	sld [smem:$0x3FB2]  }
0x2a: {  	p0 =	seq.s32 s5, $0x0;
	s5 =	sld [smem:$0x3FB3]  }
0x2b: {  	s6 =	sld [smem:$0x3FB4]  }
0x2c: {  	s7 =	sld [smem:$0x3FB5]  }
0x2d: {  	s3 =	simm.s32 $0x108;
	s8 =	sld [smem:$0x3FB6]  }
0x2e: {  	s3 =	simm.s32 @!p0 $0x1082;
	s9 =	sld [smem:$0x3FB7]  }
0x2f: {  	lr =	sadd.s32 s0, s3;
	s0 =	sld [smem:$0x3FAE]  }
0x30: {  	s3 =	sld [smem:$0x3FB1]  }
0x31: {  	[smem:$0x3FBA] =	sst s10  }
0x32: {  	s10 =	sld [smem:$0x3FB8];
	_ =	sdelay $0x3  }
0x33: {  	p0 =	seq.s32 s10, $0x1;
	s10 =	sld [smem:$0x3FBA];
	_ =	sdelay $0x3  }
0x34: {  	[smem:$0x3FBA] =	sst s10  }
0x35: {  	s10 =	sld [smem:$0x3FB9];
	_ =	sdelay $0x3  }
0x36: {  	p1 =	seq.s32 s10, $0x1;
	s10 =	sld [smem:$0x3FBA];
	_ =	sdelay $0x3  }
0x37: {  	[smem:$0x3FBA] =	sst s10  }
0x38: {  	s10 =	sld [smem:$0x3FBB]  }
0x39: {  	_ = 	snop;
	(pc) =	sbr.ind lr, $3  }
0x3a: {  	_ = 	snop  }
0x3b: {  	_ = 	snop  }
0x3c: {  	p2 =	seq.s32 s10, $0x1;
	s10 =	sld [smem:$0x3FBA]  }
0x3d: {  	_ =	shalt  }
0x3e: {  	_ =	shalt  }
0x3f: {  	_ =	shalt  }
0x40: {  	_ =	shalt  }
0x41: {  	_ =	shalt  }
0x42: {  	_ =	shalt  }
0x43: {  	_ =	shalt  }
0x44: {  	_ =	shalt  }
0x45: {  	_ =	shalt  }
0x46: {  	_ =	shalt  }
0x47: {  	_ =	shalt  }
0x48: {  	_ =	shalt  }
0x49: {  	_ =	shalt  }
0x4a: {  	_ =	shalt  }
0x4b: {  	_ =	shalt  }
0x4c: {  	_ =	shalt  }
0x4d: {  	_ =	shalt  }
0x4e: {  	_ =	shalt  }
0x4f: {  	_ =	shalt  }
0x50: {  	_ =	shalt  }
0x51: {  	_ =	shalt  }
0x52: {  	_ =	shalt  }
0x53: {  	_ =	shalt  }
0x54: {  	_ =	shalt  }
0x55: {  	_ =	shalt  }
0x56: {  	_ =	shalt  }
0x57: {  	_ =	shalt  }
0x58: {  	_ =	shalt  }
0x59: {  	_ =	shalt  }
0x5a: {  	_ =	shalt  }
0x5b: {  	_ =	shalt  }
0x5c: {  	_ =	shalt  }
0x5d: {  	_ =	shalt  }
0x5e: {  	_ =	shalt  }
0x5f: {  	_ =	shalt  }
0x60: {  	_ =	shalt  }
0x61: {  	_ =	shalt  }
0x62: {  	_ =	shalt  }
0x63: {  	_ =	shalt  }
0x64: {  	_ =	shalt  }
0x65: {  	_ =	shalt  }
0x66: {  	_ =	shalt  }
0x67: {  	_ =	shalt  }
0x68: {  	_ =	shalt  }
0x69: {  	_ =	shalt  }
0x6a: {  	_ =	shalt  }
0x6b: {  	_ =	shalt  }
0x6c: {  	_ =	shalt  }
0x6d: {  	_ =	shalt  }
0x6e: {  	_ =	shalt  }
0x6f: {  	_ =	shalt  }
0x70: {  	_ =	shalt  }
0x71: {  	_ =	shalt  }
0x72: {  	_ =	shalt  }
0x73: {  	_ =	shalt  }
0x74: {  	_ =	shalt  }
0x75: {  	_ =	shalt  }
0x76: {  	_ =	shalt  }
0x77: {  	_ =	shalt  }
0x78: {  	_ =	shalt  }
0x79: {  	_ =	shalt  }
0x7a: {  	_ =	shalt  }
0x7b: {  	_ =	shalt  }
0x7c: {  	_ =	shalt  }
0x7d: {  	_ =	shalt  }
0x7e: {  	_ =	shalt  }
0x7f: {  	_ =	shalt  }
0x80: {  	_ =	shalt  }
0x81: {  	_ =	shalt  }
0x82: {  	_ =	shalt  }
0x83: {  	_ =	shalt  }
0x84: {  	_ =	shalt  }
0x85: {  	_ =	shalt  }
0x86: {  	_ =	shalt  }
0x87: {  	_ =	shalt  }
.Lfunc_end0:
.L_simem_size_0:
called_computation_lowered:
.L_overlay_start_0:
0x88: {  	s2 =	sld [smem:$0x3FD9]  }
0x89: {  	s3 =	sld [smem:$0x3FFE];
	_ =	sdelay $0x1  }
0x8a: {  	s1 =	srdreg.scid  }
0x8b: {  	s0 =	sand.u32 $0x1, s1  }
0x8c: {  	s18 =	sshll.u32 s0, $0xA;
	s2 =	sadd.s32 s3, s2  }
0x8d: {  	s2 =	sadd.s32 s2, s18  }
0x8e: {  	[smem:$0x3FC6] =	sst s2  }
0x8f: {  	_ = 	snop  }
0x90: {  	s2 =	sld [smem:$0x3FC9]  }
0x91: {  	s19 =	sld [smem:$0x3FC8]  }
0x92: {  	s4 =	sld [smem:$0x3FD0];
	(tm) =	ssettm $0x1  }
0x93: {  	s5 =	sld [smem:$0x3FFB];
	_ =	sdelay $0x3  }
0x94: {  	_ =	strace s5  }
0x95: {  	s5 =	sld [smem:$0x3FFC];
	_ =	sdelay $0x3  }
0x96: {  	_ =	strace s5  }
0x97: {  	s5 =	sld [smem:$0x3FFD];
	_ =	sdelay $0x3  }
0x98: {  	_ =	strace s5  }
0x99: {  	_ =	strace $0x8FFFFFFF  }
0x9a: {  	s20 =	sld [smem:$0x3FDB];
	_ =	sdelay $0x1  }
0x9b: {  	s6 =	simm.s32 $_scs_section_size  }
0x9c: {  	s7 =	simm.s32 $_size__tile_overlayer_lowered;
	s8 =	simm.s32 $_tile_overlayer_lowered  }
0x9d: {  	s23 =	simm.s32 $0x1BFF;
	s22 =	sshll.u32 s8, $0x1;
	s5 =	sadd.s32 s6, s20  }
0x9e: {  	s9 =	simm.s32 $0x0;
	s21 =	sshll.u32 s7, $0x1;
	s7 =	sadd.s32 s22, s5  }
0x9f: {  	[timem:s9], [sflag:s23] =	dma.local [hbm:s7], s21  }
0xa0: {  	_ =	swait.ge [sflag:s23], s21  }
0xa1: {  	s6 =	ssub.s32 $0x0, s21;
	[sflag:s23] =	ssyncset.done $0x0  }
0xa2: {  	[sflag:s23] =	ssyncadd.s32 s6;
	_ =	sdelay $0x1  }
0xa3: {  	s24 =	simm.s32 $0x1B8B  }
0xa4: {  	_ =	swait.ge [sflag:s24], $0x1  }
0xa5: {  	[sflag:s24] =	ssyncset.done $0x0  }
0xa6: {  	s25 =	simm.s32 $0x1B8E;
	[sflag:s24] =	ssyncadd.s32 $0xFFFFFFFF  }
0xa7: {  	s26 =	simm.s32 $execute0_lowered;
	[smem:$0x3FD2] =	sst s25  }
0xa8: {  	s6 =	sshll.u32 s26, $0x1;
	_ =	strace $0x80000046;
	[dreg:$0x1] =	wrdreg $0xFFFFFFFF  }
0xa9: {  	s28 =	simm.s32 $_size_execute0_lowered;
	s5 =	sadd.s32 s5, s6;
	[dreg:$0x0] =	wrdreg $0x0  }
0xaa: {  	s6 =	sshll.u32 s28, $0x1;
	[dreg:$0x2] =	wrdreg s5  }
0xab: {  	[dreg:$0x3] =	wrdreg s6  }
0xac: {  	[dreg:$0x4] =	wrdreg $0xC0  }
0xad: {  	_ =	task [dreg:s9], $0x5FFFF  }
0xae: {  	[dreg:$0x1] =	wrdreg $0xFFFFFFFF  }
0xaf: {  	[dreg:$0x0] =	wrdreg $0x60  }
0xb0: {  	[dreg:$0x2] =	wrdreg s2  }
0xb1: {  	[dreg:$0x3] =	wrdreg s19  }
0xb2: {  	[dreg:$0x4] =	wrdreg s4  }
0xb3: {  	[dreg:$0x5] =	wrdreg $0x0  }
0xb4: {  	[dreg:$0x6] =	wrdreg $0x9  }
0xb5: {  	_ =	task.clear_ibuf [dreg:s9], $0x7FFFF;
	_ =	strace $0x90000046  }
0xb6: {  	s29 =	simm.s32 $0x9;
	_ =	strace $0x80000048  }
0xb7: {  	_ =	swait.ge [sflag:s29], $0x1  }
0xb8: {  	[sflag:s29] =	ssyncadd.s32 $0xFFFFFFFF  }
0xb9: {  	_ =	strace $0x90000048  }
0xba: {  	_ =	sfence  }
0xbb: {  	s30 =	sld [smem:$0x0];
	_ =	sdelay $0x2  }
0xbc: {  	s31 =	sshll.u32 s1, $0xD;
	s1 =	sshrl.u32 s1, $0x2  }
0xbd: {  	s3 =	sand.u32 $0x4000, s31;
	s1 =	sadd.s32 s1, s30  }
0xbe: {  	s0 =	sor.u32 s3, s0;
	s1 =	sshll.u32 s1, $0x11  }
0xbf: {  	s0 =	sor.u32 s1, s0  }
0xc0: {  	s0 =	sadd.s32 $0x8F2B, s0  }
0xc1: {  	[sflag:s0] =	ssyncadd.remote.s32 $0x1  }
0xc2: {  	_ =	sfence.sel $0xFFFF  }
0xc3: {  	[dreg:$0x0] =	wrdreg $0xFFFFFFFF;
	(pc) =	sbr.abs _section_cstart, $3  }
0xc4: {  	[dreg:$0x1] =	wrdreg $0xFFFFFFFF  }
0xc5: {  	_ =	task.clear_ibuf [dreg:s9], $0x2FFFF;
	_ =	strace $0x9FFFFFFF  }
0xc6: {  	(tm) =	ssettm $0x7FFFFFFF  }
0xc7: {  	_ =	shalt  }
tec
execute0_lowered:
.L_overlay_start_1:
0x0: {  	(tag) =	ssettag $0x1  }
0x1: {  	s1 =	rddreg [dreg:$0x0]  }
0x2: {  	s4 =	rddreg [dreg:$0x1]  }
0x3: {  	s5 =	rddreg [dreg:$0x2]  }
0x4: {  	s2 =	rddreg [dreg:$0x3];
	s3 =	simm.s32 $0x0  }
0x5: {  	s19 =	simm.s32 $0x1F80;
	[smem:$0x7FF] =	sst s3  }
0x6: {  	s20 =	simm.s32 $0x1FC0;
	_ =	strace $0x80000047;
	[dreg:$0x12] =	wrdreg s19  }
0x7: {  	s0 =	srdreg.scid;
	s21 =	simm.s32 $0x2000;
	[dreg:$0x13] =	wrdreg s20  }
0x8: {  	s9 =	stileid.u32;
	s22 =	simm.s32 $0x2040;
	[dreg:$0x14] =	wrdreg s21  }
0x9: {  	s23 =	simm.s32 $0x2080;
	s24 =	simm.s32 $0x20C0;
	[dreg:$0x15] =	wrdreg s22  }
0xa: {  	s26 =	simm.s32 $0x2100;
	s0 =	sand.u32 $0x1, s0;
	[dreg:$0x16] =	wrdreg s23  }
0xb: {  	s6 =	sshll.u32 s9, $0xA;
	s7 =	sshll.u32 s0, $0x9;
	[dreg:$0x17] =	wrdreg s24  }
0xc: {  	[dreg:$0x18] =	wrdreg s26;
	s7 =	sor.u32 s7, s6;
	s6 =	sadd.s32 s1, s6  }
0xd: {  	s1 =	sadd.s32 $0x3C00, s1;
	[dreg:$0x6] =	wrdreg s6  }
0xe: {  	s8 =	sshrl.u32 s7, $0x3;
	[dreg:$0x7] =	wrdreg s1  }
0xf: {  	s4 =	sadd.s32 s4, s8;
	s8 =	sshll.u32 s7, $0x4;
	s6 =	rddreg [dreg:$0x7]  }
0x10: {  	[dreg:$0x5] =	wrdreg s4;
	s11 =	sadd.s32 s5, s8  }
0x11: {  	s10 =	sadd.s32 $0x400, s11;
	s25 =	rddreg [dreg:$0x5]  }
0x12: {  	s12 =	sadd.s32 $0x800, s11;
	[dreg:$0x8] =	wrdreg s10  }
0x13: {  	s13 =	sadd.s32 $0xC00, s11;
	[dreg:$0x9] =	wrdreg s12  }
0x14: {  	s14 =	sadd.s32 $0x1000, s11;
	[dreg:$0xa] =	wrdreg s13  }
0x15: {  	s15 =	sshll.u32 s9, $0xD;
	s16 =	sadd.s32 $0x1400, s11;
	[dreg:$0xb] =	wrdreg s14  }
0x16: {  	p0 =	seq.s32 s9, $0xF;
	s17 =	sadd.s32 $0x1800, s11;
	[dreg:$0xc] =	wrdreg s16  }
0x17: {  	s5 =	sadd.s32 $0x1E000, s2;
	s18 =	sadd.s32 $0x1C00, s11;
	[dreg:$0xd] =	wrdreg s17  }
0x18: {  	s1 =	sshrl.u32 @p0 s5, $0x3;
	s5 =	sshll.u32 @!p0 s9, $0x6;
	[dreg:$0xe] =	wrdreg s18  }
0x19: {  	s4 =	sadd.s32 s15, s2;
	[dreg:$0x11] =	wrdreg s1;
	s1 =	sor.u32 @!p0 $0x1C12, s5  }
0x1a: {  	s12 =	simm.s32 $0x1F40;
	[dreg:$0xf] =	wrdreg s1;
	s1 =	sshrl.u32 @!p0 s4, $0x3  }
0x1b: {  	[tilespmem:s12], [sflag:$0x1] =	stream.linear.gather [hbm4b:s25+s3], $0x200, $0x38;
	[tilespmem:$0x12140] =	vst v63  }
0x1c: {  	[dreg:$0x10] =	wrdreg s1  }
0x1d: {  	s7 =	simm.s32 @p0 $0x12;
	s5 =	simm.s32 @p0 $0x1FD2;
	s1 =	rddreg [dreg:$0x11]  }
0x1e: {  	[spmem:s1], [sflag:s5] =	dma.local @p0 [hbm:s6], $0x280  }
0x1f: {  	_ =	swait.ge @p0 [sflag:s7], $0x280  }
0x20: {  	s1 =	rddreg [dreg:$0x10]  }
0x21: {  	s4 =	rddreg [dreg:$0x6];
	[sflag:s7] =	ssyncset.done @p0 $0x0  }
0x22: {  	s8 =	simm.s32 @!p0 $0x12;
	s5 =	rddreg [dreg:$0xf];
	[sflag:s7] =	ssyncadd.s32 @p0 $0xFFFFFD80  }
0x23: {  	[spmem:s1], [sflag:s5] =	dma.local @!p0 [hbm:s4], $0x400  }
0x24: {  	_ =	swait.ge @!p0 [sflag:s8], $0x400  }
0x25: {  	[sflag:s8] =	ssyncset.done @!p0 $0x0  }
0x26: {  	[sflag:s8] =	ssyncadd.s32 @!p0 $0xFFFFFC00  }
0x27: {  	s9 =	simm.s32 $0x1;
	[bflag:$0x0] =	sbarrier.arrive $0xFFFF  }
0x28: {  	_ =	swait.ge [sflag:s9], $0x200  }
0x29: {  	[sflag:s9] =	ssyncset.done $0x0  }
0x2a: {  	s10 =	simm.s32 $0x40;
	s6 =	simm.s32 $0x2140;
	[sflag:s9] =	ssyncadd.s32 $0xFFFFFE00  }
0x2b: {  	[tilespmem:s6], [sflag:$0x2] =	stream.indirect.gather [spmem:s2], $0x80, s12, s10, $0xb8;
	[tilespmem:$0x12140] =	vst v63  }
0x2c: {  	s22 =	simm.s32 $0x4140;
	s21 =	rddreg [dreg:$0x12]  }
0x2d: {  	[tilespmem:s22], [sflag:$0x3] =	stream.indirect.gather [spmem:s2], $0x80, s21, s10, $0xb8;
	[tilespmem:$0x12140] =	vst v63  }
0x2e: {  	s7 =	simm.s32 $0x6140;
	s26 =	rddreg [dreg:$0x13]  }
0x2f: {  	[tilespmem:s7], [sflag:$0x4] =	stream.indirect.gather [spmem:s2], $0x80, s26, s10, $0xb8;
	[tilespmem:$0x12140] =	vst v63  }
0x30: {  	s13 =	simm.s32 $0x8140;
	s23 =	rddreg [dreg:$0x14]  }
0x31: {  	[tilespmem:s13], [sflag:$0x5] =	stream.indirect.gather [spmem:s2], $0x80, s23, s10, $0xb8;
	[tilespmem:$0x12140] =	vst v63  }
0x32: {  	s15 =	simm.s32 $0xA140;
	s24 =	rddreg [dreg:$0x15]  }
0x33: {  	[tilespmem:s15], [sflag:$0x6] =	stream.indirect.gather [spmem:s2], $0x80, s24, s10, $0xb8;
	[tilespmem:$0x12140] =	vst v63  }
0x34: {  	s25 =	rddreg [dreg:$0x16];
	s26 =	simm.s32 $0xC140  }
0x35: {  	[tilespmem:s26], [sflag:$0x7] =	stream.indirect.gather [spmem:s2], $0x80, s25, s10, $0xb8;
	[tilespmem:$0x12140] =	vst v63  }
0x36: {  	s14 =	simm.s32 $0xE140;
	s16 =	rddreg [dreg:$0x17]  }
0x37: {  	[tilespmem:s14], [sflag:$0x8] =	stream.indirect.gather [spmem:s2], $0x80, s16, s10, $0xb8;
	[tilespmem:$0x12140] =	vst v63  }
0x38: {  	s19 =	simm.s32 $0x2;
	s18 =	simm.s32 $0x10140;
	s17 =	rddreg [dreg:$0x18]  }
0x39: {  	[tilespmem:s18], [sflag:$0x9] =	stream.indirect.gather [spmem:s2], $0x80, s17, s10, $0xb8;
	[tilespmem:$0x12140] =	vst v63  }
0x3a: {  	_ =	swait.ge [sflag:s19], $0x2000  }
0x3b: {  	[sflag:s19] =	ssyncset.done $0x0  }
0x3c: {  	s20 =	simm.s32 $0x3;
	[dreg:$0x19] =	wrdreg s11;
	[sflag:s19] =	ssyncadd.s32 $0xFFFFE000  }
0x3d: {  	[hbm4b:s11+s3] =	stream.linear.scatter [tilespmem:s6], [sflag:$0xA], $0x2000, $0x38;
	[tilespmem:$0x12140] =	vst v63  }
0x3e: {  	_ =	swait.ge [sflag:s20], $0x2000  }
0x3f: {  	[sflag:s20] =	ssyncset.done $0x0  }
0x40: {  	s21 =	simm.s32 $0x4;
	s5 =	rddreg [dreg:$0x8];
	[sflag:s20] =	ssyncadd.s32 $0xFFFFE000  }
0x41: {  	[hbm4b:s5+s3] =	stream.linear.scatter [tilespmem:s22], [sflag:$0xB], $0x2000, $0x38;
	[tilespmem:$0x12140] =	vst v63  }
0x42: {  	_ =	swait.ge [sflag:s21], $0x2000  }
0x43: {  	[sflag:s21] =	ssyncset.done $0x0  }
0x44: {  	s22 =	simm.s32 $0x5;
	s6 =	rddreg [dreg:$0x9];
	[sflag:s21] =	ssyncadd.s32 $0xFFFFE000  }
0x45: {  	[hbm4b:s6+s3] =	stream.linear.scatter [tilespmem:s7], [sflag:$0xC], $0x2000, $0x38;
	[tilespmem:$0x12140] =	vst v63  }
0x46: {  	_ =	swait.ge [sflag:s22], $0x2000  }
0x47: {  	[sflag:s22] =	ssyncset.done $0x0  }
0x48: {  	s23 =	simm.s32 $0x6;
	s11 =	rddreg [dreg:$0xa];
	[sflag:s22] =	ssyncadd.s32 $0xFFFFE000  }
0x49: {  	[hbm4b:s11+s3] =	stream.linear.scatter [tilespmem:s13], [sflag:$0xD], $0x2000, $0x38;
	[tilespmem:$0x12140] =	vst v63  }
0x4a: {  	_ =	swait.ge [sflag:s23], $0x2000  }
0x4b: {  	[sflag:s23] =	ssyncset.done $0x0  }
0x4c: {  	s24 =	simm.s32 $0x7;
	s12 =	rddreg [dreg:$0xb];
	[sflag:s23] =	ssyncadd.s32 $0xFFFFE000  }
0x4d: {  	[hbm4b:s12+s3] =	stream.linear.scatter [tilespmem:s15], [sflag:$0xE], $0x2000, $0x38;
	[tilespmem:$0x12140] =	vst v63  }
0x4e: {  	_ =	swait.ge [sflag:s24], $0x2000  }
0x4f: {  	[sflag:s24] =	ssyncset.done $0x0  }
0x50: {  	s25 =	simm.s32 $0x8;
	s13 =	rddreg [dreg:$0xc];
	[sflag:s24] =	ssyncadd.s32 $0xFFFFE000  }
0x51: {  	[hbm4b:s13+s3] =	stream.linear.scatter [tilespmem:s26], [sflag:$0xF], $0x2000, $0x38;
	[tilespmem:$0x12140] =	vst v63  }
0x52: {  	_ =	swait.ge [sflag:s25], $0x2000  }
0x53: {  	[sflag:s25] =	ssyncset.done $0x0  }
0x54: {  	s26 =	simm.s32 $0x9;
	s15 =	rddreg [dreg:$0xd];
	[sflag:s25] =	ssyncadd.s32 $0xFFFFE000  }
0x55: {  	[hbm4b:s15+s3] =	stream.linear.scatter [tilespmem:s14], [sflag:$0x10], $0x2000, $0x38;
	[tilespmem:$0x12140] =	vst v63  }
0x56: {  	_ =	swait.ge [sflag:s26], $0x2000  }
0x57: {  	[sflag:s26] =	ssyncset.done $0x0  }
0x58: {  	s28 =	simm.s32 $0xA;
	s16 =	rddreg [dreg:$0xe];
	[sflag:s26] =	ssyncadd.s32 $0xFFFFE000  }
0x59: {  	[hbm4b:s16+s3] =	stream.linear.scatter [tilespmem:s18], [sflag:$0x11], $0x2000, $0x38;
	[tilespmem:$0x12140] =	vst v63  }
0x5a: {  	_ =	swait.ge [sflag:s28], $0x2000  }
0x5b: {  	[sflag:s28] =	ssyncset.done $0x0  }
0x5c: {  	s29 =	simm.s32 $0xB;
	[sflag:s28] =	ssyncadd.s32 $0xFFFFE000  }
0x5d: {  	_ =	swait.ge [sflag:s29], $0x2000  }
0x5e: {  	[sflag:s29] =	ssyncset.done $0x0  }
0x5f: {  	s30 =	simm.s32 $0xC;
	[sflag:s29] =	ssyncadd.s32 $0xFFFFE000  }
0x60: {  	_ =	swait.ge [sflag:s30], $0x2000  }
0x61: {  	[sflag:s30] =	ssyncset.done $0x0  }
0x62: {  	s31 =	simm.s32 $0xD;
	[sflag:s30] =	ssyncadd.s32 $0xFFFFE000  }
0x63: {  	_ =	swait.ge [sflag:s31], $0x2000  }
0x64: {  	s17 =	ssub.s32 $0x2, s0;
	[sflag:s31] =	ssyncset.done $0x0  }
0x65: {  	s1 =	simm.s32 $0xE;
	s18 =	sshrl.u32 s17, $0x1;
	[sflag:s31] =	ssyncadd.s32 $0xFFFFE000  }
0x66: {  	s4 =	ssub.s32 s17, s18;
	_ =	swait.ge [sflag:s1], $0x2000  }
0x67: {  	s4 =	smax.u32 s4, $0x1;
	[sflag:s1] =	ssyncset.done $0x0  }
0x68: {  	s0 =	simm.s32 $0xF;
	s4 =	sadd.s32 $0xFFFFFFFF, s4;
	[sflag:s1] =	ssyncadd.s32 $0xFFFFE000  }
0x69: {  	p1 =	sne.s32 s4, $0x0;
	_ =	swait.ge [sflag:s0], $0x2000  }
.Ltmp0:
0x6a: {  	[sflag:s0] =	ssyncset.done $0x0;
	(pc) =	sbr.rel @!p1 .LBB2_3-.Ltmp0, $4  }
0x6b: {  	s6 =	simm.s32 $0x10;
	[sflag:s0] =	ssyncadd.s32 $0xFFFFE000  }
0x6c: {  	_ =	swait.ge [sflag:s6], $0x2000  }
0x6d: {  	[sflag:s6] =	ssyncset.done $0x0  }
0x6e: {  	s5 =	simm.s32 $0x11;
	[sflag:s6] =	ssyncadd.s32 $0xFFFFE000  }
0x6f: {  	s16 =	simm.s32 $0x2140  }
0x70: {  	s17 =	simm.s32 $0x6140;
	s18 =	simm.s32 $0x8140;
	s14 =	simm.s32 $0xA140  }
.LBB2_2:
0x71: {  	_ =	swait.ge [sflag:s5], $0x2000  }
0x72: {  	s11 =	rddreg [dreg:$0x11];
	[sflag:s5] =	ssyncset.done $0x0  }
0x73: {  	s15 =	simm.s32 $0x1F40;
	s12 =	rddreg [dreg:$0x5];
	[sflag:s5] =	ssyncadd.s32 $0xFFFFE000  }
0x74: {  	[tilespmem:s15], [sflag:$0x1] =	stream.linear.gather [hbm4b:s12+s3], $0x200, $0x38;
	[tilespmem:$0x12140] =	vst v63  }
0x75: {  	s7 =	simm.s32 @p0 $0x12;
	s13 =	rddreg [dreg:$0x7];
	s12 =	simm.s32 @p0 $0x1FD2  }
0x76: {  	[spmem:s11], [sflag:s12] =	dma.local @p0 [hbm:s13], $0x280  }
0x77: {  	_ =	swait.ge @p0 [sflag:s7], $0x280  }
0x78: {  	s11 =	rddreg [dreg:$0x10]  }
0x79: {  	[sflag:s7] =	ssyncset.done @p0 $0x0;
	s12 =	rddreg [dreg:$0x6]  }
0x7a: {  	s13 =	rddreg [dreg:$0xf];
	[sflag:s7] =	ssyncadd.s32 @p0 $0xFFFFFD80  }
0x7b: {  	[spmem:s11], [sflag:s13] =	dma.local @!p0 [hbm:s12], $0x400  }
0x7c: {  	_ =	swait.ge @!p0 [sflag:s8], $0x400  }
0x7d: {  	[sflag:s8] =	ssyncset.done @!p0 $0x0  }
0x7e: {  	[sflag:s8] =	ssyncadd.s32 @!p0 $0xFFFFFC00  }
0x7f: {  	[bflag:$0x0] =	sbarrier.arrive $0xFFFF  }
0x80: {  	_ =	swait.ge [sflag:s9], $0x200  }
0x81: {  	[sflag:s9] =	ssyncset.done $0x0  }
0x82: {  	[sflag:s9] =	ssyncadd.s32 $0xFFFFFE00  }
0x83: {  	[tilespmem:s16], [sflag:$0x2] =	stream.indirect.gather [spmem:s2], $0x80, s15, s10, $0xb8;
	[tilespmem:$0x12140] =	vst v63  }
0x84: {  	s7 =	rddreg [dreg:$0x12];
	s15 =	simm.s32 $0x4140  }
0x85: {  	[tilespmem:s15], [sflag:$0x3] =	stream.indirect.gather [spmem:s2], $0x80, s7, s10, $0xb8;
	[tilespmem:$0x12140] =	vst v63  }
0x86: {  	s12 =	rddreg [dreg:$0x13]  }
0x87: {  	[tilespmem:s17], [sflag:$0x4] =	stream.indirect.gather [spmem:s2], $0x80, s12, s10, $0xb8;
	[tilespmem:$0x12140] =	vst v63  }
0x88: {  	s13 =	rddreg [dreg:$0x14]  }
0x89: {  	[tilespmem:s18], [sflag:$0x5] =	stream.indirect.gather [spmem:s2], $0x80, s13, s10, $0xb8;
	[tilespmem:$0x12140] =	vst v63  }
0x8a: {  	s7 =	rddreg [dreg:$0x15]  }
0x8b: {  	[tilespmem:s14], [sflag:$0x6] =	stream.indirect.gather [spmem:s2], $0x80, s7, s10, $0xb8;
	[tilespmem:$0x12140] =	vst v63  }
0x8c: {  	s12 =	rddreg [dreg:$0x16];
	s7 =	simm.s32 $0xC140  }
0x8d: {  	[tilespmem:s7], [sflag:$0x7] =	stream.indirect.gather [spmem:s2], $0x80, s12, s10, $0xb8;
	[tilespmem:$0x12140] =	vst v63  }
0x8e: {  	s13 =	rddreg [dreg:$0x17];
	s12 =	simm.s32 $0xE140  }
0x8f: {  	[tilespmem:s12], [sflag:$0x8] =	stream.indirect.gather [spmem:s2], $0x80, s13, s10, $0xb8;
	[tilespmem:$0x12140] =	vst v63  }
0x90: {  	s11 =	rddreg [dreg:$0x18];
	s13 =	simm.s32 $0x10140  }
0x91: {  	[tilespmem:s13], [sflag:$0x9] =	stream.indirect.gather [spmem:s2], $0x80, s11, s10, $0xb8;
	[tilespmem:$0x12140] =	vst v63  }
0x92: {  	_ =	swait.ge [sflag:s19], $0x2000  }
0x93: {  	[sflag:s19] =	ssyncset.done $0x0  }
0x94: {  	s11 =	rddreg [dreg:$0x19];
	[sflag:s19] =	ssyncadd.s32 $0xFFFFE000  }
0x95: {  	[hbm4b:s11+s3] =	stream.linear.scatter [tilespmem:s16], [sflag:$0xA], $0x2000, $0x38;
	[tilespmem:$0x12140] =	vst v63  }
0x96: {  	_ =	swait.ge [sflag:s20], $0x2000  }
0x97: {  	[sflag:s20] =	ssyncset.done $0x0  }
0x98: {  	s11 =	rddreg [dreg:$0x8];
	[sflag:s20] =	ssyncadd.s32 $0xFFFFE000  }
0x99: {  	[hbm4b:s11+s3] =	stream.linear.scatter [tilespmem:s15], [sflag:$0xB], $0x2000, $0x38;
	[tilespmem:$0x12140] =	vst v63  }
0x9a: {  	_ =	swait.ge [sflag:s21], $0x2000  }
0x9b: {  	[sflag:s21] =	ssyncset.done $0x0  }
0x9c: {  	s15 =	rddreg [dreg:$0x9];
	[sflag:s21] =	ssyncadd.s32 $0xFFFFE000  }
0x9d: {  	[hbm4b:s15+s3] =	stream.linear.scatter [tilespmem:s17], [sflag:$0xC], $0x2000, $0x38;
	[tilespmem:$0x12140] =	vst v63  }
0x9e: {  	_ =	swait.ge [sflag:s22], $0x2000  }
0x9f: {  	[sflag:s22] =	ssyncset.done $0x0  }
0xa0: {  	s15 =	rddreg [dreg:$0xa];
	[sflag:s22] =	ssyncadd.s32 $0xFFFFE000  }
0xa1: {  	[hbm4b:s15+s3] =	stream.linear.scatter [tilespmem:s18], [sflag:$0xD], $0x2000, $0x38;
	[tilespmem:$0x12140] =	vst v63  }
0xa2: {  	_ =	swait.ge [sflag:s23], $0x2000  }
0xa3: {  	[sflag:s23] =	ssyncset.done $0x0  }
0xa4: {  	s15 =	rddreg [dreg:$0xb];
	[sflag:s23] =	ssyncadd.s32 $0xFFFFE000  }
0xa5: {  	[hbm4b:s15+s3] =	stream.linear.scatter [tilespmem:s14], [sflag:$0xE], $0x2000, $0x38;
	[tilespmem:$0x12140] =	vst v63  }
0xa6: {  	_ =	swait.ge [sflag:s24], $0x2000  }
0xa7: {  	[sflag:s24] =	ssyncset.done $0x0  }
0xa8: {  	s15 =	rddreg [dreg:$0xc];
	[sflag:s24] =	ssyncadd.s32 $0xFFFFE000  }
0xa9: {  	[hbm4b:s15+s3] =	stream.linear.scatter [tilespmem:s7], [sflag:$0xF], $0x2000, $0x38;
	[tilespmem:$0x12140] =	vst v63  }
0xaa: {  	_ =	swait.ge [sflag:s25], $0x2000  }
0xab: {  	[sflag:s25] =	ssyncset.done $0x0  }
0xac: {  	s7 =	rddreg [dreg:$0xd];
	[sflag:s25] =	ssyncadd.s32 $0xFFFFE000  }
0xad: {  	[hbm4b:s7+s3] =	stream.linear.scatter [tilespmem:s12], [sflag:$0x10], $0x2000, $0x38;
	[tilespmem:$0x12140] =	vst v63  }
0xae: {  	_ =	swait.ge [sflag:s26], $0x2000  }
0xaf: {  	[sflag:s26] =	ssyncset.done $0x0  }
0xb0: {  	s15 =	rddreg [dreg:$0xe];
	[sflag:s26] =	ssyncadd.s32 $0xFFFFE000  }
0xb1: {  	[hbm4b:s15+s3] =	stream.linear.scatter [tilespmem:s13], [sflag:$0x11], $0x2000, $0x38;
	[tilespmem:$0x12140] =	vst v63  }
0xb2: {  	_ =	swait.ge [sflag:s28], $0x2000  }
0xb3: {  	[sflag:s28] =	ssyncset.done $0x0  }
0xb4: {  	[sflag:s28] =	ssyncadd.s32 $0xFFFFE000  }
0xb5: {  	_ =	swait.ge [sflag:s29], $0x2000  }
0xb6: {  	[sflag:s29] =	ssyncset.done $0x0  }
0xb7: {  	[sflag:s29] =	ssyncadd.s32 $0xFFFFE000  }
0xb8: {  	_ =	swait.ge [sflag:s30], $0x2000  }
0xb9: {  	[sflag:s30] =	ssyncset.done $0x0  }
0xba: {  	[sflag:s30] =	ssyncadd.s32 $0xFFFFE000  }
0xbb: {  	_ =	swait.ge [sflag:s31], $0x2000  }
0xbc: {  	[sflag:s31] =	ssyncset.done $0x0  }
0xbd: {  	[sflag:s31] =	ssyncadd.s32 $0xFFFFE000  }
0xbe: {  	_ =	swait.ge [sflag:s1], $0x2000  }
0xbf: {  	[sflag:s1] =	ssyncset.done $0x0  }
0xc0: {  	s4 =	sadd.s32 $0xFFFFFFFF, s4;
	[sflag:s1] =	ssyncadd.s32 $0xFFFFE000  }
0xc1: {  	p1 =	sne.s32 s4, $0x0;
	_ =	swait.ge [sflag:s0], $0x2000  }
.Ltmp1:
0xc2: {  	[sflag:s0] =	ssyncset.done $0x0;
	(pc) =	sbr.rel @p1 .LBB2_2-.Ltmp1, $4  }
0xc3: {  	[sflag:s0] =	ssyncadd.s32 $0xFFFFE000  }
0xc4: {  	_ =	swait.ge [sflag:s6], $0x2000  }
0xc5: {  	[sflag:s6] =	ssyncset.done $0x0  }
0xc6: {  	[sflag:s6] =	ssyncadd.s32 $0xFFFFE000  }
.LBB2_3:
0xc7: {  	_ =	swait.ge [sflag:s5], $0x2000  }
0xc8: {  	[sflag:s5] =	ssyncset.done $0x0  }
0xc9: {  	[sflag:s5] =	ssyncadd.s32 $0xFFFFE000  }
0xca: {  	_ =	sfence.sel $0x180000  }
0xcb: {  	[bflag:$0x0] =	sbarrier.arrive $0xFFFF  }
0xcc: {  	_ =	strace $0x90000047  }
0xcd: {  	s0 =	stileid.u32;
	[bflag:$0x2] =	sbarrier.arrive $0xFFFF  }
0xce: {  	p0 =	sne.s32 s0, $0x0;
	s0 =	rddreg [dreg:$0x4]  }
0xcf: {  	s0 =	sadd.s32 @!p0 $0x100000, s0  }
0xd0: {  	[sflag:s0] =	ssyncadd.tile.s32 @!p0 $0x1;
	_ =	shalt  }
.Lfunc_end2:
_tile_overlayer_lowered:
.L_overlay_start_2:
0xd1: {  	(tag) =	ssettag $0x2  }
0xd2: {  	s0 =	rddreg [dreg:$0x0];
	s2 =	stileid.u32  }
0xd3: {  	s1 =	rddreg [dreg:$0x1];
	p0 =	sne.s32 s2, $0x0  }
0xd4: {  	s3 =	rddreg [dreg:$0x2];
	[bflag:$0x3] =	sbarrier.arrive $0xFFFF;
	s2 =	simm.s32 @!p0 $0x1C12  }
0xd5: {  	[timem:s3], [sflag:s2] =	dma.local @!p0 [hbm:s0], s1  }
0xd6: {  	s0 =	simm.s32 @!p0 $0x12  }
0xd7: {  	_ =	swait.ge @!p0 [sflag:s0], s1  }
0xd8: {  	s1 =	ssub.s32 @!p0 $0x0, s1;
	[sflag:s0] =	ssyncset.done @!p0 $0x0  }
0xd9: {  	[sflag:s0] =	ssyncadd.s32 @!p0 s1  }
0xda: {  	[bflag:$0x3] =	sbarrier.arrive $0xFFFF  }
0xdb: {  	_ =	shalt  }

</sc_bundles>
